<compile_context>
chip_gen: v7x
topology: tpu7x:2x2x1
jax: 0.10.2.dev20260603
libtpu: 0.0.44.dev20260713+nightly
codegen_flags: <defaults>
</compile_context>

<pallas_src>
import functools

import jax
import jax.numpy as jnp
from jax import lax
from jax.experimental import pallas as pl
from jax.experimental.pallas import tpu as pltpu
from jax.experimental.pallas import tpu_sc as plsc

_FIELD_OFFSET = 1000000
_B = 4096
_D = 16
_ROWS = 2000000

_NC = 2
_NS = 16
_L = 16
_NW = _NC * _NS
_BPW = _B // _NW

_TILE_R = 128
_TILE_D = 8
_RT = _ROWS // _TILE_R
_DCONST = [(d // _TILE_D) * _RT * 1024 + (d % _TILE_D) * _TILE_R
           for d in range(_D)]


def _mf_body(x_hbm, t_hbm, out_hbm, xv, idxb, gath, outv, sem, sem_x):
    wid = lax.axis_index("s") * _NC + lax.axis_index("c")

    ci_x = pltpu.async_copy(
        x_hbm.at[pl.ds(wid * 2 * _BPW + _BPW, _BPW)],
        xv.at[pl.ds(_BPW, _BPW)], sem_x)
    pltpu.sync_copy(x_hbm.at[pl.ds(wid * 2 * _BPW, _BPW)],
                    xv.at[pl.ds(0, _BPW)])

    def _build(blk, base_off):
        j0 = blk * _L
        v = xv[pl.ds(base_off * _BPW + j0, _L)]
        v = jnp.where(base_off == 1, v + _FIELD_OFFSET, v)
        vb = ((v >> 7) << 10) + (v & 127)
        for d in range(_D):
            idxb[pl.ds((base_off * _D + d) * _BPW + j0, _L)] = vb + _DCONST[d]
        return 0

    lax.fori_loop(0, _BPW // _L, lambda blk, c: _build(blk, 0), 0,
                  unroll=False)
    cu = pltpu.async_copy(
        t_hbm.at[idxb.at[pl.ds(0, _D * _BPW)]],
        gath.at[pl.ds(0, _D * _BPW)], sem)
    ci_x.wait()
    lax.fori_loop(0, _BPW // _L, lambda blk, c: _build(blk, 1), 0,
                  unroll=False)
    ci = pltpu.async_copy(
        t_hbm.at[idxb.at[pl.ds(_D * _BPW, _D * _BPW)]],
        gath.at[pl.ds(_D * _BPW, _D * _BPW)], sem)
    cu.wait()
    ci.wait()

    def _dot(blk, c):
        j0 = blk * _L
        acc = gath[pl.ds(j0, _L)] * gath[pl.ds(_D * _BPW + j0, _L)]
        for d in range(1, _D):
            acc = acc + (gath[pl.ds(d * _BPW + j0, _L)]
                         * gath[pl.ds((_D + d) * _BPW + j0, _L)])
        outv[pl.ds(j0, _L)] = acc
        return 0

    lax.fori_loop(0, _BPW // _L, _dot, 0, unroll=False)

    pltpu.sync_copy(outv, out_hbm.at[pl.ds(wid * _BPW, _BPW)])


@functools.partial(
    pl.kernel,
    out_type=jax.ShapeDtypeStruct((_B,), jnp.float32),
    mesh=plsc.VectorSubcoreMesh(core_axis_name="c", subcore_axis_name="s"),
    compiler_params=pltpu.CompilerParams(
        needs_layout_passes=False, use_tc_tiling_on_sc=False
    ),
    scratch_types=[
        pltpu.VMEM((2 * _BPW,), jnp.int32),
        pltpu.VMEM((2 * _D * _BPW,), jnp.int32),
        pltpu.VMEM((2 * _D * _BPW,), jnp.float32),
        pltpu.VMEM((_BPW,), jnp.float32),
        pltpu.SemaphoreType.DMA,
        pltpu.SemaphoreType.DMA,
    ],
)
def _mf_kernel(x_hbm, t_hbm, out_hbm, xv, idxb, gath, outv, sem, sem_x):
    _mf_body(x_hbm, t_hbm, out_hbm, xv, idxb, gath, outv, sem, sem_x)


def kernel(x, table):
    xflat = (
        x.reshape(_B // _TILE_R, _TILE_R, 2)
        .transpose(0, 2, 1)
        .reshape(2 * _B)
    )
    tflat = (
        table.reshape(_RT, _TILE_R, _D // _TILE_D, _TILE_D)
        .transpose(2, 0, 3, 1)
        .reshape(_ROWS * _D)
    )
    y = _mf_kernel(xflat, tflat)
    return y.reshape(_B, 1)

# --- scband reference (transcript-rebuilt; emitter-appended) ---
"""Pipeline reference for scband-mf-84722524880963 (READ-ONLY COPY).

The authoritative reference and input builder live on the scoring server;
editing this copy changes nothing except your own understanding.
"""

import jax, jax.numpy as jnp
import numpy as np

FIELD_DIMS = [1000000, 1000000]
EMBED_DIM = 16
BATCH = 4096


def setup_inputs(seed: int = 0) -> dict:
    key = jax.random.key(seed)
    k1, k2 = jax.random.split(key)
    x = jax.random.randint(k1, (BATCH, 2), 0, min(FIELD_DIMS), dtype=jnp.int32)
    table = jax.random.normal(k2, (sum(FIELD_DIMS), EMBED_DIM), dtype=jnp.float32) * 0.01
    return {"x": x, "table": table}


def reference(x, table):
    # FeaturesEmbedding: add per-field offsets, then single shared-table lookup
    offsets = jnp.array(np.concatenate(([0], np.cumsum(FIELD_DIMS)[:-1])), dtype=jnp.int32)
    idx = x + offsets[None, :]
    x_embed = jnp.take(table, idx, axis=0)  # [B, 2, D]
    user_embed = x_embed[:, 0]  # [B, D]
    item_embed = x_embed[:, 1]  # [B, D]
    dot = user_embed @ item_embed.T  # [B, B]
    diagonal = jnp.diag(dot)
    y = diagonal.reshape(diagonal.shape[0], -1)
    return y

if __name__ == "__main__":
    import jax
    _d = setup_inputs()
    print(jax.jit(kernel)(*tuple(_d.values())))

</pallas_src>

<mosaic_0001>
#map = affine_map<(d0, d1) -> (0)>
module attributes {stable_mosaic.version = 14 : i64} {
  func.func @_mf_kernel(%arg0: i32, %arg1: i32, %arg2: memref<8192xi32, #tpu.memory_space<hbm>>, %arg3: memref<32000000xf32, #tpu.memory_space<hbm>>, %arg4: memref<4096xf32, #tpu.memory_space<hbm>>, %arg5: memref<256xi32, #tpu.memory_space<vmem>>, %arg6: memref<4096xi32, #tpu.memory_space<vmem>>, %arg7: memref<4096xf32, #tpu.memory_space<vmem>>, %arg8: memref<128xf32, #tpu.memory_space<vmem>>, %arg9: memref<!tpu.dma_semaphore, #tpu.memory_space<semaphore_mem>>, %arg10: memref<!tpu.dma_semaphore, #tpu.memory_space<semaphore_mem>>) attributes {dimension_semantics = [#tpu.dimension_semantics<core_parallel>, #tpu.dimension_semantics<subcore_parallel>], iteration_bounds = array<i64: 2, 16>, scalar_prefetch = 0 : i64, scratch_operands = 6 : i64, tpu.core_type = #tpu.core_type<sc_vector_subcore>, window_params = [{transform_indices = #map}, {transform_indices = #map}, {transform_indices = #map}]} {
    %mul3A = arith.constant 2 : i32
    %mul3A_0 = arith.muli %arg1, %mul3A : i32
    %add3A = arith.addi %mul3A_0, %arg0 : i32
    %mul3A_1 = arith.constant 2 : i32
    %mul3A_2 = arith.muli %add3A, %mul3A_1 : i32
    %mul3A_3 = arith.constant 128 : i32
    %mul3A_4 = arith.muli %mul3A_2, %mul3A_3 : i32
    %add3A_5 = arith.constant 128 : i32
    %add3A_6 = arith.addi %mul3A_4, %add3A_5 : i32
    %dma_start3A = arith.constant 128 : i32
    %dma_start3A_7 = tpu.memref_slice %arg5[%dma_start3A] : memref<256xi32, #tpu.memory_space<vmem>> -> memref<128xi32, #tpu.memory_space<vmem>>
    %dma_start3A_8 = tpu.memref_slice %arg2[%add3A_6] : memref<8192xi32, #tpu.memory_space<hbm>> -> memref<128xi32, #tpu.memory_space<hbm>>
    %dma_start3A_9 = arith.constant 128 : i32
    %dma_start3A_10 = tpu.memref_slice %arg5[%dma_start3A_9] : memref<256xi32, #tpu.memory_space<vmem>> -> memref<128xi32, #tpu.memory_space<vmem>>
    %dma_start3A_11 = tpu.memref_slice %arg2[%add3A_6] : memref<8192xi32, #tpu.memory_space<hbm>> -> memref<128xi32, #tpu.memory_space<hbm>>
    tpu.enqueue_dma source(%dma_start3A_11 : memref<128xi32, #tpu.memory_space<hbm>>) target(%dma_start3A_10 : memref<128xi32, #tpu.memory_space<vmem>>) target_semaphore(%arg10 : memref<!tpu.dma_semaphore, #tpu.memory_space<semaphore_mem>>)
    %mul3A_12 = arith.constant 2 : i32
    %mul3A_13 = arith.muli %add3A, %mul3A_12 : i32
    %mul3A_14 = arith.constant 128 : i32
    %mul3A_15 = arith.muli %mul3A_13, %mul3A_14 : i32
    "tpu.region"() ({
      %run_scoped3A = tpu.sem_alloc : memref<!tpu.dma_semaphore, #tpu.memory_space<semaphore_mem>>
      %dma_start3A_67 = arith.constant 0 : i32
      %dma_start3A_68 = tpu.memref_slice %arg5[%dma_start3A_67] : memref<256xi32, #tpu.memory_space<vmem>> -> memref<128xi32, #tpu.memory_space<vmem>>
      %dma_start3A_69 = tpu.memref_slice %arg2[%mul3A_15] : memref<8192xi32, #tpu.memory_space<hbm>> -> memref<128xi32, #tpu.memory_space<hbm>>
      %dma_start3A_70 = arith.constant 0 : i32
      %dma_start3A_71 = tpu.memref_slice %arg5[%dma_start3A_70] : memref<256xi32, #tpu.memory_space<vmem>> -> memref<128xi32, #tpu.memory_space<vmem>>
      %dma_start3A_72 = tpu.memref_slice %arg2[%mul3A_15] : memref<8192xi32, #tpu.memory_space<hbm>> -> memref<128xi32, #tpu.memory_space<hbm>>
      tpu.enqueue_dma source(%dma_start3A_72 : memref<128xi32, #tpu.memory_space<hbm>>) target(%dma_start3A_71 : memref<128xi32, #tpu.memory_space<vmem>>) target_semaphore(%run_scoped3A : memref<!tpu.dma_semaphore, #tpu.memory_space<semaphore_mem>>)
      %dma_wait3A_73 = arith.constant 0 : i32
      %dma_wait3A_74 = tpu.memref_slice %arg5[%dma_wait3A_73] : memref<256xi32, #tpu.memory_space<vmem>> -> memref<128xi32, #tpu.memory_space<vmem>>
      %dma_wait3A_75 = tpu.memref_slice %arg2[%mul3A_15] : memref<8192xi32, #tpu.memory_space<hbm>> -> memref<128xi32, #tpu.memory_space<hbm>>
      %dma_wait3A_76 = arith.constant 0 : i32
      %dma_wait3A_77 = tpu.memref_slice %arg5[%dma_wait3A_76] : memref<256xi32, #tpu.memory_space<vmem>> -> memref<128xi32, #tpu.memory_space<vmem>>
      %dma_wait3A_78 = tpu.memref_slice %arg2[%mul3A_15] : memref<8192xi32, #tpu.memory_space<hbm>> -> memref<128xi32, #tpu.memory_space<hbm>>
      tpu.wait_dma2 semaphore(%run_scoped3A : memref<!tpu.dma_semaphore, #tpu.memory_space<semaphore_mem>>) src(%dma_wait3A_78 : memref<128xi32, #tpu.memory_space<hbm>>) dst(%dma_wait3A_77 : memref<128xi32, #tpu.memory_space<vmem>>)
      tpu.yield
    }) : () -> ()
    %scan3A = arith.constant 0 : i32
    %scan3A_16 = arith.constant 0 : i32
    %scan3A_17 = arith.constant 8 : i32
    %scan3A_18 = arith.addi %scan3A_16, %scan3A_17 : i32
    %scan3A_19 = arith.constant 1 : i32
    %scan3A_20 = scf.for %scan3A_67 = %scan3A_16 to %scan3A_18 step %scan3A_19 iter_args(%scan3A_68 = %scan3A) -> (i32)  : i32 {
      %mul3A_69 = arith.constant 16 : i32
      %mul3A_70 = arith.muli %scan3A_67, %mul3A_69 : i32
      %add3A_71 = arith.constant 0 : i32
      %add3A_72 = arith.addi %add3A_71, %mul3A_70 : i32
      %get3A = arith.index_cast %add3A_72 : i32 to index
      %get3A_73 = tpu.vector_load %arg5[%get3A] {strides = array<i32>} : memref<256xi32, #tpu.memory_space<vmem>>, vector<16xi32>,
      %add3A_74 = arith.constant 1000000 : i32
      %add3A_75 = vector.broadcast %add3A_74 : i32 to vector<16xi32>
      %add3A_76 = arith.addi %get3A_73, %add3A_75 : vector<16xi32>
      %jit3A = arith.constant false
      %select_n3A = arith.select %jit3A, %add3A_76, %get3A_73 : vector<16xi32>
      %shift_right_arithmetic3A = arith.constant 7 : i32
      %shift_right_arithmetic3A_77 = vector.broadcast %shift_right_arithmetic3A : i32 to vector<16xi32>
      %shift_right_arithmetic3A_78 = arith.shrsi %select_n3A, %shift_right_arithmetic3A_77 : vector<16xi32>
      %shift_left3A = arith.constant 10 : i32
      %shift_left3A_79 = vector.broadcast %shift_left3A : i32 to vector<16xi32>
      %shift_left3A_80 = arith.shli %shift_right_arithmetic3A_78, %shift_left3A_79 : vector<16xi32>
      %and3A = arith.constant 127 : i32
      %and3A_81 = vector.broadcast %and3A : i32 to vector<16xi32>
      %and3A_82 = arith.andi %select_n3A, %and3A_81 : vector<16xi32>
      %add3A_83 = arith.addi %shift_left3A_80, %and3A_82 : vector<16xi32>
      %add3A_84 = arith.constant 0 : i32
      %add3A_85 = vector.broadcast %add3A_84 : i32 to vector<16xi32>
      %add3A_86 = arith.addi %add3A_83, %add3A_85 : vector<16xi32>
      %add3A_87 = arith.constant 0 : i32
      %add3A_88 = arith.addi %add3A_87, %mul3A_70 : i32
      %swap3A = arith.index_cast %add3A_88 : i32 to index
      %swap3A_89 = tpu.vector_load %arg6[%swap3A] {strides = array<i32>} : memref<4096xi32, #tpu.memory_space<vmem>>, vector<16xi32>,
      tpu.vector_store %arg6[%swap3A], %add3A_86 {strides = array<i32>} : memref<4096xi32, #tpu.memory_space<vmem>>, vector<16xi32>,
      %add3A_90 = arith.constant 128 : i32
      %add3A_91 = vector.broadcast %add3A_90 : i32 to vector<16xi32>
      %add3A_92 = arith.addi %add3A_83, %add3A_91 : vector<16xi32>
      %add3A_93 = arith.constant 128 : i32
      %add3A_94 = arith.addi %add3A_93, %mul3A_70 : i32
      %swap3A_95 = arith.index_cast %add3A_94 : i32 to index
      %swap3A_96 = tpu.vector_load %arg6[%swap3A_95] {strides = array<i32>} : memref<4096xi32, #tpu.memory_space<vmem>>, vector<16xi32>,
      tpu.vector_store %arg6[%swap3A_95], %add3A_92 {strides = array<i32>} : memref<4096xi32, #tpu.memory_space<vmem>>, vector<16xi32>,
      %add3A_97 = arith.constant 256 : i32
      %add3A_98 = vector.broadcast %add3A_97 : i32 to vector<16xi32>
      %add3A_99 = arith.addi %add3A_83, %add3A_98 : vector<16xi32>
      %add3A_100 = arith.constant 256 : i32
      %add3A_101 = arith.addi %add3A_100, %mul3A_70 : i32
      %swap3A_102 = arith.index_cast %add3A_101 : i32 to index
      %swap3A_103 = tpu.vector_load %arg6[%swap3A_102] {strides = array<i32>} : memref<4096xi32, #tpu.memory_space<vmem>>, vector<16xi32>,
      tpu.vector_store %arg6[%swap3A_102], %add3A_99 {strides = array<i32>} : memref<4096xi32, #tpu.memory_space<vmem>>, vector<16xi32>,
      %add3A_104 = arith.constant 384 : i32
      %add3A_105 = vector.broadcast %add3A_104 : i32 to vector<16xi32>
      %add3A_106 = arith.addi %add3A_83, %add3A_105 : vector<16xi32>
      %add3A_107 = arith.constant 384 : i32
      %add3A_108 = arith.addi %add3A_107, %mul3A_70 : i32
      %swap3A_109 = arith.index_cast %add3A_108 : i32 to index
      %swap3A_110 = tpu.vector_load %arg6[%swap3A_109] {strides = array<i32>} : memref<4096xi32, #tpu.memory_space<vmem>>, vector<16xi32>,
      tpu.vector_store %arg6[%swap3A_109], %add3A_106 {strides = array<i32>} : memref<4096xi32, #tpu.memory_space<vmem>>, vector<16xi32>,
      %add3A_111 = arith.constant 512 : i32
      %add3A_112 = vector.broadcast %add3A_111 : i32 to vector<16xi32>
      %add3A_113 = arith.addi %add3A_83, %add3A_112 : vector<16xi32>
      %add3A_114 = arith.constant 512 : i32
      %add3A_115 = arith.addi %add3A_114, %mul3A_70 : i32
      %swap3A_116 = arith.index_cast %add3A_115 : i32 to index
      %swap3A_117 = tpu.vector_load %arg6[%swap3A_116] {strides = array<i32>} : memref<4096xi32, #tpu.memory_space<vmem>>, vector<16xi32>,
      tpu.vector_store %arg6[%swap3A_116], %add3A_113 {strides = array<i32>} : memref<4096xi32, #tpu.memory_space<vmem>>, vector<16xi32>,
      %add3A_118 = arith.constant 640 : i32
      %add3A_119 = vector.broadcast %add3A_118 : i32 to vector<16xi32>
      %add3A_120 = arith.addi %add3A_83, %add3A_119 : vector<16xi32>
      %add3A_121 = arith.constant 640 : i32
      %add3A_122 = arith.addi %add3A_121, %mul3A_70 : i32
      %swap3A_123 = arith.index_cast %add3A_122 : i32 to index
      %swap3A_124 = tpu.vector_load %arg6[%swap3A_123] {strides = array<i32>} : memref<4096xi32, #tpu.memory_space<vmem>>, vector<16xi32>,
      tpu.vector_store %arg6[%swap3A_123], %add3A_120 {strides = array<i32>} : memref<4096xi32, #tpu.memory_space<vmem>>, vector<16xi32>,
      %add3A_125 = arith.constant 768 : i32
      %add3A_126 = vector.broadcast %add3A_125 : i32 to vector<16xi32>
      %add3A_127 = arith.addi %add3A_83, %add3A_126 : vector<16xi32>
      %add3A_128 = arith.constant 768 : i32
      %add3A_129 = arith.addi %add3A_128, %mul3A_70 : i32
      %swap3A_130 = arith.index_cast %add3A_129 : i32 to index
      %swap3A_131 = tpu.vector_load %arg6[%swap3A_130] {strides = array<i32>} : memref<4096xi32, #tpu.memory_space<vmem>>, vector<16xi32>,
      tpu.vector_store %arg6[%swap3A_130], %add3A_127 {strides = array<i32>} : memref<4096xi32, #tpu.memory_space<vmem>>, vector<16xi32>,
      %add3A_132 = arith.constant 896 : i32
      %add3A_133 = vector.broadcast %add3A_132 : i32 to vector<16xi32>
      %add3A_134 = arith.addi %add3A_83, %add3A_133 : vector<16xi32>
      %add3A_135 = arith.constant 896 : i32
      %add3A_136 = arith.addi %add3A_135, %mul3A_70 : i32
      %swap3A_137 = arith.index_cast %add3A_136 : i32 to index
      %swap3A_138 = tpu.vector_load %arg6[%swap3A_137] {strides = array<i32>} : memref<4096xi32, #tpu.memory_space<vmem>>, vector<16xi32>,
      tpu.vector_store %arg6[%swap3A_137], %add3A_134 {strides = array<i32>} : memref<4096xi32, #tpu.memory_space<vmem>>, vector<16xi32>,
      %add3A_139 = arith.constant 16000000 : i32
      %add3A_140 = vector.broadcast %add3A_139 : i32 to vector<16xi32>
      %add3A_141 = arith.addi %add3A_83, %add3A_140 : vector<16xi32>
      %add3A_142 = arith.constant 1024 : i32
      %add3A_143 = arith.addi %add3A_142, %mul3A_70 : i32
      %swap3A_144 = arith.index_cast %add3A_143 : i32 to index
      %swap3A_145 = tpu.vector_load %arg6[%swap3A_144] {strides = array<i32>} : memref<4096xi32, #tpu.memory_space<vmem>>, vector<16xi32>,
      tpu.vector_store %arg6[%swap3A_144], %add3A_141 {strides = array<i32>} : memref<4096xi32, #tpu.memory_space<vmem>>, vector<16xi32>,
      %add3A_146 = arith.constant 16000128 : i32
      %add3A_147 = vector.broadcast %add3A_146 : i32 to vector<16xi32>
      %add3A_148 = arith.addi %add3A_83, %add3A_147 : vector<16xi32>
      %add3A_149 = arith.constant 1152 : i32
      %add3A_150 = arith.addi %add3A_149, %mul3A_70 : i32
      %swap3A_151 = arith.index_cast %add3A_150 : i32 to index
      %swap3A_152 = tpu.vector_load %arg6[%swap3A_151] {strides = array<i32>} : memref<4096xi32, #tpu.memory_space<vmem>>, vector<16xi32>,
      tpu.vector_store %arg6[%swap3A_151], %add3A_148 {strides = array<i32>} : memref<4096xi32, #tpu.memory_space<vmem>>, vector<16xi32>,
      %add3A_153 = arith.constant 16000256 : i32
      %add3A_154 = vector.broadcast %add3A_153 : i32 to vector<16xi32>
      %add3A_155 = arith.addi %add3A_83, %add3A_154 : vector<16xi32>
      %add3A_156 = arith.constant 1280 : i32
      %add3A_157 = arith.addi %add3A_156, %mul3A_70 : i32
      %swap3A_158 = arith.index_cast %add3A_157 : i32 to index
      %swap3A_159 = tpu.vector_load %arg6[%swap3A_158] {strides = array<i32>} : memref<4096xi32, #tpu.memory_space<vmem>>, vector<16xi32>,
      tpu.vector_store %arg6[%swap3A_158], %add3A_155 {strides = array<i32>} : memref<4096xi32, #tpu.memory_space<vmem>>, vector<16xi32>,
      %add3A_160 = arith.constant 16000384 : i32
      %add3A_161 = vector.broadcast %add3A_160 : i32 to vector<16xi32>
      %add3A_162 = arith.addi %add3A_83, %add3A_161 : vector<16xi32>
      %add3A_163 = arith.constant 1408 : i32
      %add3A_164 = arith.addi %add3A_163, %mul3A_70 : i32
      %swap3A_165 = arith.index_cast %add3A_164 : i32 to index
      %swap3A_166 = tpu.vector_load %arg6[%swap3A_165] {strides = array<i32>} : memref<4096xi32, #tpu.memory_space<vmem>>, vector<16xi32>,
      tpu.vector_store %arg6[%swap3A_165], %add3A_162 {strides = array<i32>} : memref<4096xi32, #tpu.memory_space<vmem>>, vector<16xi32>,
      %add3A_167 = arith.constant 16000512 : i32
      %add3A_168 = vector.broadcast %add3A_167 : i32 to vector<16xi32>
      %add3A_169 = arith.addi %add3A_83, %add3A_168 : vector<16xi32>
      %add3A_170 = arith.constant 1536 : i32
      %add3A_171 = arith.addi %add3A_170, %mul3A_70 : i32
      %swap3A_172 = arith.index_cast %add3A_171 : i32 to index
      %swap3A_173 = tpu.vector_load %arg6[%swap3A_172] {strides = array<i32>} : memref<4096xi32, #tpu.memory_space<vmem>>, vector<16xi32>,
      tpu.vector_store %arg6[%swap3A_172], %add3A_169 {strides = array<i32>} : memref<4096xi32, #tpu.memory_space<vmem>>, vector<16xi32>,
      %add3A_174 = arith.constant 16000640 : i32
      %add3A_175 = vector.broadcast %add3A_174 : i32 to vector<16xi32>
      %add3A_176 = arith.addi %add3A_83, %add3A_175 : vector<16xi32>
      %add3A_177 = arith.constant 1664 : i32
      %add3A_178 = arith.addi %add3A_177, %mul3A_70 : i32
      %swap3A_179 = arith.index_cast %add3A_178 : i32 to index
      %swap3A_180 = tpu.vector_load %arg6[%swap3A_179] {strides = array<i32>} : memref<4096xi32, #tpu.memory_space<vmem>>, vector<16xi32>,
      tpu.vector_store %arg6[%swap3A_179], %add3A_176 {strides = array<i32>} : memref<4096xi32, #tpu.memory_space<vmem>>, vector<16xi32>,
      %add3A_181 = arith.constant 16000768 : i32
      %add3A_182 = vector.broadcast %add3A_181 : i32 to vector<16xi32>
      %add3A_183 = arith.addi %add3A_83, %add3A_182 : vector<16xi32>
      %add3A_184 = arith.constant 1792 : i32
      %add3A_185 = arith.addi %add3A_184, %mul3A_70 : i32
      %swap3A_186 = arith.index_cast %add3A_185 : i32 to index
      %swap3A_187 = tpu.vector_load %arg6[%swap3A_186] {strides = array<i32>} : memref<4096xi32, #tpu.memory_space<vmem>>, vector<16xi32>,
      tpu.vector_store %arg6[%swap3A_186], %add3A_183 {strides = array<i32>} : memref<4096xi32, #tpu.memory_space<vmem>>, vector<16xi32>,
      %add3A_188 = arith.constant 16000896 : i32
      %add3A_189 = vector.broadcast %add3A_188 : i32 to vector<16xi32>
      %add3A_190 = arith.addi %add3A_83, %add3A_189 : vector<16xi32>
      %add3A_191 = arith.constant 1920 : i32
      %add3A_192 = arith.addi %add3A_191, %mul3A_70 : i32
      %swap3A_193 = arith.index_cast %add3A_192 : i32 to index
      %swap3A_194 = tpu.vector_load %arg6[%swap3A_193] {strides = array<i32>} : memref<4096xi32, #tpu.memory_space<vmem>>, vector<16xi32>,
      tpu.vector_store %arg6[%swap3A_193], %add3A_190 {strides = array<i32>} : memref<4096xi32, #tpu.memory_space<vmem>>, vector<16xi32>,
      %scan3A_195 = arith.constant 0 : i32
      scf.yield %scan3A_195 : i32
    }
    %scan3A_21 = arith.constant 8 : i32
    %dma_start3A_22 = arith.constant 0 : i32
    %dma_start3A_23 = tpu.memref_slice %arg7[%dma_start3A_22] : memref<4096xf32, #tpu.memory_space<vmem>> -> memref<2048xf32, #tpu.memory_space<vmem>>
    %dma_start3A_24 = arith.constant 0 : i32
    %dma_start3A_25 = tpu.memref_slice %arg6[%dma_start3A_24] : memref<4096xi32, #tpu.memory_space<vmem>> -> memref<2048xi32, #tpu.memory_space<vmem>>
    %dma_start3A_26 = arith.constant 0 : i32
    %dma_start3A_27 = tpu.memref_slice %arg3[%dma_start3A_26] : memref<32000000xf32, #tpu.memory_space<hbm>> -> memref<32000000xf32, #tpu.memory_space<hbm>>
    tpu.enqueue_indirect_dma source(%dma_start3A_27 : memref<32000000xf32, #tpu.memory_space<hbm>>) target(%dma_start3A_23 : memref<2048xf32, #tpu.memory_space<vmem>>) offsets(%dma_start3A_25 : memref<2048xi32, #tpu.memory_space<vmem>>) semaphore(%arg9 : memref<!tpu.dma_semaphore, #tpu.memory_space<semaphore_mem>>)
    %dma_wait3A = arith.constant 128 : i32
    %dma_wait3A_28 = tpu.memref_slice %arg5[%dma_wait3A] : memref<256xi32, #tpu.memory_space<vmem>> -> memref<128xi32, #tpu.memory_space<vmem>>
    %dma_wait3A_29 = tpu.memref_slice %arg2[%add3A_6] : memref<8192xi32, #tpu.memory_space<hbm>> -> memref<128xi32, #tpu.memory_space<hbm>>
    %dma_wait3A_30 = arith.constant 128 : i32
    %dma_wait3A_31 = tpu.memref_slice %arg5[%dma_wait3A_30] : memref<256xi32, #tpu.memory_space<vmem>> -> memref<128xi32, #tpu.memory_space<vmem>>
    %dma_wait3A_32 = tpu.memref_slice %arg2[%add3A_6] : memref<8192xi32, #tpu.memory_space<hbm>> -> memref<128xi32, #tpu.memory_space<hbm>>
    tpu.wait_dma2 semaphore(%arg10 : memref<!tpu.dma_semaphore, #tpu.memory_space<semaphore_mem>>) src(%dma_wait3A_32 : memref<128xi32, #tpu.memory_space<hbm>>) dst(%dma_wait3A_31 : memref<128xi32, #tpu.memory_space<vmem>>)
    %scan3A_33 = arith.constant 0 : i32
    %scan3A_34 = arith.constant 0 : i32
    %scan3A_35 = arith.constant 8 : i32
    %scan3A_36 = arith.addi %scan3A_34, %scan3A_35 : i32
    %scan3A_37 = arith.constant 1 : i32
    %scan3A_38 = scf.for %scan3A_67 = %scan3A_34 to %scan3A_36 step %scan3A_37 iter_args(%scan3A_68 = %scan3A_33) -> (i32)  : i32 {
      %mul3A_69 = arith.constant 16 : i32
      %mul3A_70 = arith.muli %scan3A_67, %mul3A_69 : i32
      %add3A_71 = arith.constant 128 : i32
      %add3A_72 = arith.addi %add3A_71, %mul3A_70 : i32
      %get3A = arith.index_cast %add3A_72 : i32 to index
      %get3A_73 = tpu.vector_load %arg5[%get3A] {strides = array<i32>} : memref<256xi32, #tpu.memory_space<vmem>>, vector<16xi32>,
      %add3A_74 = arith.constant 1000000 : i32
      %add3A_75 = vector.broadcast %add3A_74 : i32 to vector<16xi32>
      %add3A_76 = arith.addi %get3A_73, %add3A_75 : vector<16xi32>
      %jit3A = arith.constant true
      %select_n3A = arith.select %jit3A, %add3A_76, %get3A_73 : vector<16xi32>
      %shift_right_arithmetic3A = arith.constant 7 : i32
      %shift_right_arithmetic3A_77 = vector.broadcast %shift_right_arithmetic3A : i32 to vector<16xi32>
      %shift_right_arithmetic3A_78 = arith.shrsi %select_n3A, %shift_right_arithmetic3A_77 : vector<16xi32>
      %shift_left3A = arith.constant 10 : i32
      %shift_left3A_79 = vector.broadcast %shift_left3A : i32 to vector<16xi32>
      %shift_left3A_80 = arith.shli %shift_right_arithmetic3A_78, %shift_left3A_79 : vector<16xi32>
      %and3A = arith.constant 127 : i32
      %and3A_81 = vector.broadcast %and3A : i32 to vector<16xi32>
      %and3A_82 = arith.andi %select_n3A, %and3A_81 : vector<16xi32>
      %add3A_83 = arith.addi %shift_left3A_80, %and3A_82 : vector<16xi32>
      %add3A_84 = arith.constant 0 : i32
      %add3A_85 = vector.broadcast %add3A_84 : i32 to vector<16xi32>
      %add3A_86 = arith.addi %add3A_83, %add3A_85 : vector<16xi32>
      %add3A_87 = arith.constant 2048 : i32
      %add3A_88 = arith.addi %add3A_87, %mul3A_70 : i32
      %swap3A = arith.index_cast %add3A_88 : i32 to index
      %swap3A_89 = tpu.vector_load %arg6[%swap3A] {strides = array<i32>} : memref<4096xi32, #tpu.memory_space<vmem>>, vector<16xi32>,
      tpu.vector_store %arg6[%swap3A], %add3A_86 {strides = array<i32>} : memref<4096xi32, #tpu.memory_space<vmem>>, vector<16xi32>,
      %add3A_90 = arith.constant 128 : i32
      %add3A_91 = vector.broadcast %add3A_90 : i32 to vector<16xi32>
      %add3A_92 = arith.addi %add3A_83, %add3A_91 : vector<16xi32>
      %add3A_93 = arith.constant 2176 : i32
      %add3A_94 = arith.addi %add3A_93, %mul3A_70 : i32
      %swap3A_95 = arith.index_cast %add3A_94 : i32 to index
      %swap3A_96 = tpu.vector_load %arg6[%swap3A_95] {strides = array<i32>} : memref<4096xi32, #tpu.memory_space<vmem>>, vector<16xi32>,
      tpu.vector_store %arg6[%swap3A_95], %add3A_92 {strides = array<i32>} : memref<4096xi32, #tpu.memory_space<vmem>>, vector<16xi32>,
      %add3A_97 = arith.constant 256 : i32
      %add3A_98 = vector.broadcast %add3A_97 : i32 to vector<16xi32>
      %add3A_99 = arith.addi %add3A_83, %add3A_98 : vector<16xi32>
      %add3A_100 = arith.constant 2304 : i32
      %add3A_101 = arith.addi %add3A_100, %mul3A_70 : i32
      %swap3A_102 = arith.index_cast %add3A_101 : i32 to index
      %swap3A_103 = tpu.vector_load %arg6[%swap3A_102] {strides = array<i32>} : memref<4096xi32, #tpu.memory_space<vmem>>, vector<16xi32>,
      tpu.vector_store %arg6[%swap3A_102], %add3A_99 {strides = array<i32>} : memref<4096xi32, #tpu.memory_space<vmem>>, vector<16xi32>,
      %add3A_104 = arith.constant 384 : i32
      %add3A_105 = vector.broadcast %add3A_104 : i32 to vector<16xi32>
      %add3A_106 = arith.addi %add3A_83, %add3A_105 : vector<16xi32>
      %add3A_107 = arith.constant 2432 : i32
      %add3A_108 = arith.addi %add3A_107, %mul3A_70 : i32
      %swap3A_109 = arith.index_cast %add3A_108 : i32 to index
      %swap3A_110 = tpu.vector_load %arg6[%swap3A_109] {strides = array<i32>} : memref<4096xi32, #tpu.memory_space<vmem>>, vector<16xi32>,
      tpu.vector_store %arg6[%swap3A_109], %add3A_106 {strides = array<i32>} : memref<4096xi32, #tpu.memory_space<vmem>>, vector<16xi32>,
      %add3A_111 = arith.constant 512 : i32
      %add3A_112 = vector.broadcast %add3A_111 : i32 to vector<16xi32>
      %add3A_113 = arith.addi %add3A_83, %add3A_112 : vector<16xi32>
      %add3A_114 = arith.constant 2560 : i32
      %add3A_115 = arith.addi %add3A_114, %mul3A_70 : i32
      %swap3A_116 = arith.index_cast %add3A_115 : i32 to index
      %swap3A_117 = tpu.vector_load %arg6[%swap3A_116] {strides = array<i32>} : memref<4096xi32, #tpu.memory_space<vmem>>, vector<16xi32>,
      tpu.vector_store %arg6[%swap3A_116], %add3A_113 {strides = array<i32>} : memref<4096xi32, #tpu.memory_space<vmem>>, vector<16xi32>,
      %add3A_118 = arith.constant 640 : i32
      %add3A_119 = vector.broadcast %add3A_118 : i32 to vector<16xi32>
      %add3A_120 = arith.addi %add3A_83, %add3A_119 : vector<16xi32>
      %add3A_121 = arith.constant 2688 : i32
      %add3A_122 = arith.addi %add3A_121, %mul3A_70 : i32
      %swap3A_123 = arith.index_cast %add3A_122 : i32 to index
      %swap3A_124 = tpu.vector_load %arg6[%swap3A_123] {strides = array<i32>} : memref<4096xi32, #tpu.memory_space<vmem>>, vector<16xi32>,
      tpu.vector_store %arg6[%swap3A_123], %add3A_120 {strides = array<i32>} : memref<4096xi32, #tpu.memory_space<vmem>>, vector<16xi32>,
      %add3A_125 = arith.constant 768 : i32
      %add3A_126 = vector.broadcast %add3A_125 : i32 to vector<16xi32>
      %add3A_127 = arith.addi %add3A_83, %add3A_126 : vector<16xi32>
      %add3A_128 = arith.constant 2816 : i32
      %add3A_129 = arith.addi %add3A_128, %mul3A_70 : i32
      %swap3A_130 = arith.index_cast %add3A_129 : i32 to index
      %swap3A_131 = tpu.vector_load %arg6[%swap3A_130] {strides = array<i32>} : memref<4096xi32, #tpu.memory_space<vmem>>, vector<16xi32>,
      tpu.vector_store %arg6[%swap3A_130], %add3A_127 {strides = array<i32>} : memref<4096xi32, #tpu.memory_space<vmem>>, vector<16xi32>,
      %add3A_132 = arith.constant 896 : i32
      %add3A_133 = vector.broadcast %add3A_132 : i32 to vector<16xi32>
      %add3A_134 = arith.addi %add3A_83, %add3A_133 : vector<16xi32>
      %add3A_135 = arith.constant 2944 : i32
      %add3A_136 = arith.addi %add3A_135, %mul3A_70 : i32
      %swap3A_137 = arith.index_cast %add3A_136 : i32 to index
      %swap3A_138 = tpu.vector_load %arg6[%swap3A_137] {strides = array<i32>} : memref<4096xi32, #tpu.memory_space<vmem>>, vector<16xi32>,
      tpu.vector_store %arg6[%swap3A_137], %add3A_134 {strides = array<i32>} : memref<4096xi32, #tpu.memory_space<vmem>>, vector<16xi32>,
      %add3A_139 = arith.constant 16000000 : i32
      %add3A_140 = vector.broadcast %add3A_139 : i32 to vector<16xi32>
      %add3A_141 = arith.addi %add3A_83, %add3A_140 : vector<16xi32>
      %add3A_142 = arith.constant 3072 : i32
      %add3A_143 = arith.addi %add3A_142, %mul3A_70 : i32
      %swap3A_144 = arith.index_cast %add3A_143 : i32 to index
      %swap3A_145 = tpu.vector_load %arg6[%swap3A_144] {strides = array<i32>} : memref<4096xi32, #tpu.memory_space<vmem>>, vector<16xi32>,
      tpu.vector_store %arg6[%swap3A_144], %add3A_141 {strides = array<i32>} : memref<4096xi32, #tpu.memory_space<vmem>>, vector<16xi32>,
      %add3A_146 = arith.constant 16000128 : i32
      %add3A_147 = vector.broadcast %add3A_146 : i32 to vector<16xi32>
      %add3A_148 = arith.addi %add3A_83, %add3A_147 : vector<16xi32>
      %add3A_149 = arith.constant 3200 : i32
      %add3A_150 = arith.addi %add3A_149, %mul3A_70 : i32
      %swap3A_151 = arith.index_cast %add3A_150 : i32 to index
      %swap3A_152 = tpu.vector_load %arg6[%swap3A_151] {strides = array<i32>} : memref<4096xi32, #tpu.memory_space<vmem>>, vector<16xi32>,
      tpu.vector_store %arg6[%swap3A_151], %add3A_148 {strides = array<i32>} : memref<4096xi32, #tpu.memory_space<vmem>>, vector<16xi32>,
      %add3A_153 = arith.constant 16000256 : i32
      %add3A_154 = vector.broadcast %add3A_153 : i32 to vector<16xi32>
      %add3A_155 = arith.addi %add3A_83, %add3A_154 : vector<16xi32>
      %add3A_156 = arith.constant 3328 : i32
      %add3A_157 = arith.addi %add3A_156, %mul3A_70 : i32
      %swap3A_158 = arith.index_cast %add3A_157 : i32 to index
      %swap3A_159 = tpu.vector_load %arg6[%swap3A_158] {strides = array<i32>} : memref<4096xi32, #tpu.memory_space<vmem>>, vector<16xi32>,
      tpu.vector_store %arg6[%swap3A_158], %add3A_155 {strides = array<i32>} : memref<4096xi32, #tpu.memory_space<vmem>>, vector<16xi32>,
      %add3A_160 = arith.constant 16000384 : i32
      %add3A_161 = vector.broadcast %add3A_160 : i32 to vector<16xi32>
      %add3A_162 = arith.addi %add3A_83, %add3A_161 : vector<16xi32>
      %add3A_163 = arith.constant 3456 : i32
      %add3A_164 = arith.addi %add3A_163, %mul3A_70 : i32
      %swap3A_165 = arith.index_cast %add3A_164 : i32 to index
      %swap3A_166 = tpu.vector_load %arg6[%swap3A_165] {strides = array<i32>} : memref<4096xi32, #tpu.memory_space<vmem>>, vector<16xi32>,
      tpu.vector_store %arg6[%swap3A_165], %add3A_162 {strides = array<i32>} : memref<4096xi32, #tpu.memory_space<vmem>>, vector<16xi32>,
      %add3A_167 = arith.constant 16000512 : i32
      %add3A_168 = vector.broadcast %add3A_167 : i32 to vector<16xi32>
      %add3A_169 = arith.addi %add3A_83, %add3A_168 : vector<16xi32>
      %add3A_170 = arith.constant 3584 : i32
      %add3A_171 = arith.addi %add3A_170, %mul3A_70 : i32
      %swap3A_172 = arith.index_cast %add3A_171 : i32 to index
      %swap3A_173 = tpu.vector_load %arg6[%swap3A_172] {strides = array<i32>} : memref<4096xi32, #tpu.memory_space<vmem>>, vector<16xi32>,
      tpu.vector_store %arg6[%swap3A_172], %add3A_169 {strides = array<i32>} : memref<4096xi32, #tpu.memory_space<vmem>>, vector<16xi32>,
      %add3A_174 = arith.constant 16000640 : i32
      %add3A_175 = vector.broadcast %add3A_174 : i32 to vector<16xi32>
      %add3A_176 = arith.addi %add3A_83, %add3A_175 : vector<16xi32>
      %add3A_177 = arith.constant 3712 : i32
      %add3A_178 = arith.addi %add3A_177, %mul3A_70 : i32
      %swap3A_179 = arith.index_cast %add3A_178 : i32 to index
      %swap3A_180 = tpu.vector_load %arg6[%swap3A_179] {strides = array<i32>} : memref<4096xi32, #tpu.memory_space<vmem>>, vector<16xi32>,
      tpu.vector_store %arg6[%swap3A_179], %add3A_176 {strides = array<i32>} : memref<4096xi32, #tpu.memory_space<vmem>>, vector<16xi32>,
      %add3A_181 = arith.constant 16000768 : i32
      %add3A_182 = vector.broadcast %add3A_181 : i32 to vector<16xi32>
      %add3A_183 = arith.addi %add3A_83, %add3A_182 : vector<16xi32>
      %add3A_184 = arith.constant 3840 : i32
      %add3A_185 = arith.addi %add3A_184, %mul3A_70 : i32
      %swap3A_186 = arith.index_cast %add3A_185 : i32 to index
      %swap3A_187 = tpu.vector_load %arg6[%swap3A_186] {strides = array<i32>} : memref<4096xi32, #tpu.memory_space<vmem>>, vector<16xi32>,
      tpu.vector_store %arg6[%swap3A_186], %add3A_183 {strides = array<i32>} : memref<4096xi32, #tpu.memory_space<vmem>>, vector<16xi32>,
      %add3A_188 = arith.constant 16000896 : i32
      %add3A_189 = vector.broadcast %add3A_188 : i32 to vector<16xi32>
      %add3A_190 = arith.addi %add3A_83, %add3A_189 : vector<16xi32>
      %add3A_191 = arith.constant 3968 : i32
      %add3A_192 = arith.addi %add3A_191, %mul3A_70 : i32
      %swap3A_193 = arith.index_cast %add3A_192 : i32 to index
      %swap3A_194 = tpu.vector_load %arg6[%swap3A_193] {strides = array<i32>} : memref<4096xi32, #tpu.memory_space<vmem>>, vector<16xi32>,
      tpu.vector_store %arg6[%swap3A_193], %add3A_190 {strides = array<i32>} : memref<4096xi32, #tpu.memory_space<vmem>>, vector<16xi32>,
      %scan3A_195 = arith.constant 0 : i32
      scf.yield %scan3A_195 : i32
    }
    %scan3A_39 = arith.constant 8 : i32
    %dma_start3A_40 = arith.constant 2048 : i32
    %dma_start3A_41 = tpu.memref_slice %arg7[%dma_start3A_40] : memref<4096xf32, #tpu.memory_space<vmem>> -> memref<2048xf32, #tpu.memory_space<vmem>>
    %dma_start3A_42 = arith.constant 2048 : i32
    %dma_start3A_43 = tpu.memref_slice %arg6[%dma_start3A_42] : memref<4096xi32, #tpu.memory_space<vmem>> -> memref<2048xi32, #tpu.memory_space<vmem>>
    %dma_start3A_44 = arith.constant 0 : i32
    %dma_start3A_45 = tpu.memref_slice %arg3[%dma_start3A_44] : memref<32000000xf32, #tpu.memory_space<hbm>> -> memref<32000000xf32, #tpu.memory_space<hbm>>
    tpu.enqueue_indirect_dma source(%dma_start3A_45 : memref<32000000xf32, #tpu.memory_space<hbm>>) target(%dma_start3A_41 : memref<2048xf32, #tpu.memory_space<vmem>>) offsets(%dma_start3A_43 : memref<2048xi32, #tpu.memory_space<vmem>>) semaphore(%arg9 : memref<!tpu.dma_semaphore, #tpu.memory_space<semaphore_mem>>)
    %dma_wait3A_46 = arith.constant 0 : i32
    %dma_wait3A_47 = tpu.memref_slice %arg7[%dma_wait3A_46] : memref<4096xf32, #tpu.memory_space<vmem>> -> memref<2048xf32, #tpu.memory_space<vmem>>
    %dma_wait3A_48 = arith.constant 0 : i32
    %dma_wait3A_49 = tpu.memref_slice %arg6[%dma_wait3A_48] : memref<4096xi32, #tpu.memory_space<vmem>> -> memref<2048xi32, #tpu.memory_space<vmem>>
    %dma_wait3A_50 = arith.constant 0 : i32
    %dma_wait3A_51 = tpu.memref_slice %arg3[%dma_wait3A_50] : memref<32000000xf32, #tpu.memory_space<hbm>> -> memref<32000000xf32, #tpu.memory_space<hbm>>
    tpu.wait_indirect_dma semaphore(%arg9 : memref<!tpu.dma_semaphore, #tpu.memory_space<semaphore_mem>>) src(%dma_wait3A_51 : memref<32000000xf32, #tpu.memory_space<hbm>>) dst(%dma_wait3A_47 : memref<2048xf32, #tpu.memory_space<vmem>>)
    %dma_wait3A_52 = arith.constant 2048 : i32
    %dma_wait3A_53 = tpu.memref_slice %arg7[%dma_wait3A_52] : memref<4096xf32, #tpu.memory_space<vmem>> -> memref<2048xf32, #tpu.memory_space<vmem>>
    %dma_wait3A_54 = arith.constant 2048 : i32
    %dma_wait3A_55 = tpu.memref_slice %arg6[%dma_wait3A_54] : memref<4096xi32, #tpu.memory_space<vmem>> -> memref<2048xi32, #tpu.memory_space<vmem>>
    %dma_wait3A_56 = arith.constant 0 : i32
    %dma_wait3A_57 = tpu.memref_slice %arg3[%dma_wait3A_56] : memref<32000000xf32, #tpu.memory_space<hbm>> -> memref<32000000xf32, #tpu.memory_space<hbm>>
    tpu.wait_indirect_dma semaphore(%arg9 : memref<!tpu.dma_semaphore, #tpu.memory_space<semaphore_mem>>) src(%dma_wait3A_57 : memref<32000000xf32, #tpu.memory_space<hbm>>) dst(%dma_wait3A_53 : memref<2048xf32, #tpu.memory_space<vmem>>)
    %scan3A_58 = arith.constant 0 : i32
    %scan3A_59 = arith.constant 0 : i32
    %scan3A_60 = arith.constant 8 : i32
    %scan3A_61 = arith.addi %scan3A_59, %scan3A_60 : i32
    %scan3A_62 = arith.constant 1 : i32
    %scan3A_63 = scf.for %scan3A_67 = %scan3A_59 to %scan3A_61 step %scan3A_62 iter_args(%scan3A_68 = %scan3A_58) -> (i32)  : i32 {
      %mul3A_69 = arith.constant 16 : i32
      %mul3A_70 = arith.muli %scan3A_67, %mul3A_69 : i32
      %get3A = arith.index_cast %mul3A_70 : i32 to index
      %get3A_71 = tpu.vector_load %arg7[%get3A] {strides = array<i32>} : memref<4096xf32, #tpu.memory_space<vmem>>, vector<16xf32>,
      %add3A_72 = arith.constant 2048 : i32
      %add3A_73 = arith.addi %add3A_72, %mul3A_70 : i32
      %get3A_74 = arith.index_cast %add3A_73 : i32 to index
      %get3A_75 = tpu.vector_load %arg7[%get3A_74] {strides = array<i32>} : memref<4096xf32, #tpu.memory_space<vmem>>, vector<16xf32>,
      %mul3A_76 = arith.mulf %get3A_71, %get3A_75 : vector<16xf32>
      %add3A_77 = arith.constant 128 : i32
      %add3A_78 = arith.addi %add3A_77, %mul3A_70 : i32
      %get3A_79 = arith.index_cast %add3A_78 : i32 to index
      %get3A_80 = tpu.vector_load %arg7[%get3A_79] {strides = array<i32>} : memref<4096xf32, #tpu.memory_space<vmem>>, vector<16xf32>,
      %add3A_81 = arith.constant 2176 : i32
      %add3A_82 = arith.addi %add3A_81, %mul3A_70 : i32
      %get3A_83 = arith.index_cast %add3A_82 : i32 to index
      %get3A_84 = tpu.vector_load %arg7[%get3A_83] {strides = array<i32>} : memref<4096xf32, #tpu.memory_space<vmem>>, vector<16xf32>,
      %mul3A_85 = arith.mulf %get3A_80, %get3A_84 : vector<16xf32>
      %add3A_86 = arith.addf %mul3A_76, %mul3A_85 : vector<16xf32>
      %add3A_87 = arith.constant 256 : i32
      %add3A_88 = arith.addi %add3A_87, %mul3A_70 : i32
      %get3A_89 = arith.index_cast %add3A_88 : i32 to index
      %get3A_90 = tpu.vector_load %arg7[%get3A_89] {strides = array<i32>} : memref<4096xf32, #tpu.memory_space<vmem>>, vector<16xf32>,
      %add3A_91 = arith.constant 2304 : i32
      %add3A_92 = arith.addi %add3A_91, %mul3A_70 : i32
      %get3A_93 = arith.index_cast %add3A_92 : i32 to index
      %get3A_94 = tpu.vector_load %arg7[%get3A_93] {strides = array<i32>} : memref<4096xf32, #tpu.memory_space<vmem>>, vector<16xf32>,
      %mul3A_95 = arith.mulf %get3A_90, %get3A_94 : vector<16xf32>
      %add3A_96 = arith.addf %add3A_86, %mul3A_95 : vector<16xf32>
      %add3A_97 = arith.constant 384 : i32
      %add3A_98 = arith.addi %add3A_97, %mul3A_70 : i32
      %get3A_99 = arith.index_cast %add3A_98 : i32 to index
      %get3A_100 = tpu.vector_load %arg7[%get3A_99] {strides = array<i32>} : memref<4096xf32, #tpu.memory_space<vmem>>, vector<16xf32>,
      %add3A_101 = arith.constant 2432 : i32
      %add3A_102 = arith.addi %add3A_101, %mul3A_70 : i32
      %get3A_103 = arith.index_cast %add3A_102 : i32 to index
      %get3A_104 = tpu.vector_load %arg7[%get3A_103] {strides = array<i32>} : memref<4096xf32, #tpu.memory_space<vmem>>, vector<16xf32>,
      %mul3A_105 = arith.mulf %get3A_100, %get3A_104 : vector<16xf32>
      %add3A_106 = arith.addf %add3A_96, %mul3A_105 : vector<16xf32>
      %add3A_107 = arith.constant 512 : i32
      %add3A_108 = arith.addi %add3A_107, %mul3A_70 : i32
      %get3A_109 = arith.index_cast %add3A_108 : i32 to index
      %get3A_110 = tpu.vector_load %arg7[%get3A_109] {strides = array<i32>} : memref<4096xf32, #tpu.memory_space<vmem>>, vector<16xf32>,
      %add3A_111 = arith.constant 2560 : i32
      %add3A_112 = arith.addi %add3A_111, %mul3A_70 : i32
      %get3A_113 = arith.index_cast %add3A_112 : i32 to index
      %get3A_114 = tpu.vector_load %arg7[%get3A_113] {strides = array<i32>} : memref<4096xf32, #tpu.memory_space<vmem>>, vector<16xf32>,
      %mul3A_115 = arith.mulf %get3A_110, %get3A_114 : vector<16xf32>
      %add3A_116 = arith.addf %add3A_106, %mul3A_115 : vector<16xf32>
      %add3A_117 = arith.constant 640 : i32
      %add3A_118 = arith.addi %add3A_117, %mul3A_70 : i32
      %get3A_119 = arith.index_cast %add3A_118 : i32 to index
      %get3A_120 = tpu.vector_load %arg7[%get3A_119] {strides = array<i32>} : memref<4096xf32, #tpu.memory_space<vmem>>, vector<16xf32>,
      %add3A_121 = arith.constant 2688 : i32
      %add3A_122 = arith.addi %add3A_121, %mul3A_70 : i32
      %get3A_123 = arith.index_cast %add3A_122 : i32 to index
      %get3A_124 = tpu.vector_load %arg7[%get3A_123] {strides = array<i32>} : memref<4096xf32, #tpu.memory_space<vmem>>, vector<16xf32>,
      %mul3A_125 = arith.mulf %get3A_120, %get3A_124 : vector<16xf32>
      %add3A_126 = arith.addf %add3A_116, %mul3A_125 : vector<16xf32>
      %add3A_127 = arith.constant 768 : i32
      %add3A_128 = arith.addi %add3A_127, %mul3A_70 : i32
      %get3A_129 = arith.index_cast %add3A_128 : i32 to index
      %get3A_130 = tpu.vector_load %arg7[%get3A_129] {strides = array<i32>} : memref<4096xf32, #tpu.memory_space<vmem>>, vector<16xf32>,
      %add3A_131 = arith.constant 2816 : i32
      %add3A_132 = arith.addi %add3A_131, %mul3A_70 : i32
      %get3A_133 = arith.index_cast %add3A_132 : i32 to index
      %get3A_134 = tpu.vector_load %arg7[%get3A_133] {strides = array<i32>} : memref<4096xf32, #tpu.memory_space<vmem>>, vector<16xf32>,
      %mul3A_135 = arith.mulf %get3A_130, %get3A_134 : vector<16xf32>
      %add3A_136 = arith.addf %add3A_126, %mul3A_135 : vector<16xf32>
      %add3A_137 = arith.constant 896 : i32
      %add3A_138 = arith.addi %add3A_137, %mul3A_70 : i32
      %get3A_139 = arith.index_cast %add3A_138 : i32 to index
      %get3A_140 = tpu.vector_load %arg7[%get3A_139] {strides = array<i32>} : memref<4096xf32, #tpu.memory_space<vmem>>, vector<16xf32>,
      %add3A_141 = arith.constant 2944 : i32
      %add3A_142 = arith.addi %add3A_141, %mul3A_70 : i32
      %get3A_143 = arith.index_cast %add3A_142 : i32 to index
      %get3A_144 = tpu.vector_load %arg7[%get3A_143] {strides = array<i32>} : memref<4096xf32, #tpu.memory_space<vmem>>, vector<16xf32>,
      %mul3A_145 = arith.mulf %get3A_140, %get3A_144 : vector<16xf32>
      %add3A_146 = arith.addf %add3A_136, %mul3A_145 : vector<16xf32>
      %add3A_147 = arith.constant 1024 : i32
      %add3A_148 = arith.addi %add3A_147, %mul3A_70 : i32
      %get3A_149 = arith.index_cast %add3A_148 : i32 to index
      %get3A_150 = tpu.vector_load %arg7[%get3A_149] {strides = array<i32>} : memref<4096xf32, #tpu.memory_space<vmem>>, vector<16xf32>,
      %add3A_151 = arith.constant 3072 : i32
      %add3A_152 = arith.addi %add3A_151, %mul3A_70 : i32
      %get3A_153 = arith.index_cast %add3A_152 : i32 to index
      %get3A_154 = tpu.vector_load %arg7[%get3A_153] {strides = array<i32>} : memref<4096xf32, #tpu.memory_space<vmem>>, vector<16xf32>,
      %mul3A_155 = arith.mulf %get3A_150, %get3A_154 : vector<16xf32>
      %add3A_156 = arith.addf %add3A_146, %mul3A_155 : vector<16xf32>
      %add3A_157 = arith.constant 1152 : i32
      %add3A_158 = arith.addi %add3A_157, %mul3A_70 : i32
      %get3A_159 = arith.index_cast %add3A_158 : i32 to index
      %get3A_160 = tpu.vector_load %arg7[%get3A_159] {strides = array<i32>} : memref<4096xf32, #tpu.memory_space<vmem>>, vector<16xf32>,
      %add3A_161 = arith.constant 3200 : i32
      %add3A_162 = arith.addi %add3A_161, %mul3A_70 : i32
      %get3A_163 = arith.index_cast %add3A_162 : i32 to index
      %get3A_164 = tpu.vector_load %arg7[%get3A_163] {strides = array<i32>} : memref<4096xf32, #tpu.memory_space<vmem>>, vector<16xf32>,
      %mul3A_165 = arith.mulf %get3A_160, %get3A_164 : vector<16xf32>
      %add3A_166 = arith.addf %add3A_156, %mul3A_165 : vector<16xf32>
      %add3A_167 = arith.constant 1280 : i32
      %add3A_168 = arith.addi %add3A_167, %mul3A_70 : i32
      %get3A_169 = arith.index_cast %add3A_168 : i32 to index
      %get3A_170 = tpu.vector_load %arg7[%get3A_169] {strides = array<i32>} : memref<4096xf32, #tpu.memory_space<vmem>>, vector<16xf32>,
      %add3A_171 = arith.constant 3328 : i32
      %add3A_172 = arith.addi %add3A_171, %mul3A_70 : i32
      %get3A_173 = arith.index_cast %add3A_172 : i32 to index
      %get3A_174 = tpu.vector_load %arg7[%get3A_173] {strides = array<i32>} : memref<4096xf32, #tpu.memory_space<vmem>>, vector<16xf32>,
      %mul3A_175 = arith.mulf %get3A_170, %get3A_174 : vector<16xf32>
      %add3A_176 = arith.addf %add3A_166, %mul3A_175 : vector<16xf32>
      %add3A_177 = arith.constant 1408 : i32
      %add3A_178 = arith.addi %add3A_177, %mul3A_70 : i32
      %get3A_179 = arith.index_cast %add3A_178 : i32 to index
      %get3A_180 = tpu.vector_load %arg7[%get3A_179] {strides = array<i32>} : memref<4096xf32, #tpu.memory_space<vmem>>, vector<16xf32>,
      %add3A_181 = arith.constant 3456 : i32
      %add3A_182 = arith.addi %add3A_181, %mul3A_70 : i32
      %get3A_183 = arith.index_cast %add3A_182 : i32 to index
      %get3A_184 = tpu.vector_load %arg7[%get3A_183] {strides = array<i32>} : memref<4096xf32, #tpu.memory_space<vmem>>, vector<16xf32>,
      %mul3A_185 = arith.mulf %get3A_180, %get3A_184 : vector<16xf32>
      %add3A_186 = arith.addf %add3A_176, %mul3A_185 : vector<16xf32>
      %add3A_187 = arith.constant 1536 : i32
      %add3A_188 = arith.addi %add3A_187, %mul3A_70 : i32
      %get3A_189 = arith.index_cast %add3A_188 : i32 to index
      %get3A_190 = tpu.vector_load %arg7[%get3A_189] {strides = array<i32>} : memref<4096xf32, #tpu.memory_space<vmem>>, vector<16xf32>,
      %add3A_191 = arith.constant 3584 : i32
      %add3A_192 = arith.addi %add3A_191, %mul3A_70 : i32
      %get3A_193 = arith.index_cast %add3A_192 : i32 to index
      %get3A_194 = tpu.vector_load %arg7[%get3A_193] {strides = array<i32>} : memref<4096xf32, #tpu.memory_space<vmem>>, vector<16xf32>,
      %mul3A_195 = arith.mulf %get3A_190, %get3A_194 : vector<16xf32>
      %add3A_196 = arith.addf %add3A_186, %mul3A_195 : vector<16xf32>
      %add3A_197 = arith.constant 1664 : i32
      %add3A_198 = arith.addi %add3A_197, %mul3A_70 : i32
      %get3A_199 = arith.index_cast %add3A_198 : i32 to index
      %get3A_200 = tpu.vector_load %arg7[%get3A_199] {strides = array<i32>} : memref<4096xf32, #tpu.memory_space<vmem>>, vector<16xf32>,
      %add3A_201 = arith.constant 3712 : i32
      %add3A_202 = arith.addi %add3A_201, %mul3A_70 : i32
      %get3A_203 = arith.index_cast %add3A_202 : i32 to index
      %get3A_204 = tpu.vector_load %arg7[%get3A_203] {strides = array<i32>} : memref<4096xf32, #tpu.memory_space<vmem>>, vector<16xf32>,
      %mul3A_205 = arith.mulf %get3A_200, %get3A_204 : vector<16xf32>
      %add3A_206 = arith.addf %add3A_196, %mul3A_205 : vector<16xf32>
      %add3A_207 = arith.constant 1792 : i32
      %add3A_208 = arith.addi %add3A_207, %mul3A_70 : i32
      %get3A_209 = arith.index_cast %add3A_208 : i32 to index
      %get3A_210 = tpu.vector_load %arg7[%get3A_209] {strides = array<i32>} : memref<4096xf32, #tpu.memory_space<vmem>>, vector<16xf32>,
      %add3A_211 = arith.constant 3840 : i32
      %add3A_212 = arith.addi %add3A_211, %mul3A_70 : i32
      %get3A_213 = arith.index_cast %add3A_212 : i32 to index
      %get3A_214 = tpu.vector_load %arg7[%get3A_213] {strides = array<i32>} : memref<4096xf32, #tpu.memory_space<vmem>>, vector<16xf32>,
      %mul3A_215 = arith.mulf %get3A_210, %get3A_214 : vector<16xf32>
      %add3A_216 = arith.addf %add3A_206, %mul3A_215 : vector<16xf32>
      %add3A_217 = arith.constant 1920 : i32
      %add3A_218 = arith.addi %add3A_217, %mul3A_70 : i32
      %get3A_219 = arith.index_cast %add3A_218 : i32 to index
      %get3A_220 = tpu.vector_load %arg7[%get3A_219] {strides = array<i32>} : memref<4096xf32, #tpu.memory_space<vmem>>, vector<16xf32>,
      %add3A_221 = arith.constant 3968 : i32
      %add3A_222 = arith.addi %add3A_221, %mul3A_70 : i32
      %get3A_223 = arith.index_cast %add3A_222 : i32 to index
      %get3A_224 = tpu.vector_load %arg7[%get3A_223] {strides = array<i32>} : memref<4096xf32, #tpu.memory_space<vmem>>, vector<16xf32>,
      %mul3A_225 = arith.mulf %get3A_220, %get3A_224 : vector<16xf32>
      %add3A_226 = arith.addf %add3A_216, %mul3A_225 : vector<16xf32>
      %swap3A = arith.index_cast %mul3A_70 : i32 to index
      %swap3A_227 = tpu.vector_load %arg8[%swap3A] {strides = array<i32>} : memref<128xf32, #tpu.memory_space<vmem>>, vector<16xf32>,
      tpu.vector_store %arg8[%swap3A], %add3A_226 {strides = array<i32>} : memref<128xf32, #tpu.memory_space<vmem>>, vector<16xf32>,
      %scan3A_228 = arith.constant 0 : i32
      scf.yield %scan3A_228 : i32
    }
    %scan3A_64 = arith.constant 8 : i32
    %mul3A_65 = arith.constant 128 : i32
    %mul3A_66 = arith.muli %add3A, %mul3A_65 : i32
    "tpu.region"() ({
      %run_scoped3A = tpu.sem_alloc : memref<!tpu.dma_semaphore, #tpu.memory_space<semaphore_mem>>
      %dma_start3A_67 = tpu.memref_slice %arg4[%mul3A_66] : memref<4096xf32, #tpu.memory_space<hbm>> -> memref<128xf32, #tpu.memory_space<hbm>>
      %dma_start3A_68 = tpu.memref_slice %arg4[%mul3A_66] : memref<4096xf32, #tpu.memory_space<hbm>> -> memref<128xf32, #tpu.memory_space<hbm>>
      tpu.enqueue_dma source(%arg8 : memref<128xf32, #tpu.memory_space<vmem>>) target(%dma_start3A_68 : memref<128xf32, #tpu.memory_space<hbm>>) target_semaphore(%run_scoped3A : memref<!tpu.dma_semaphore, #tpu.memory_space<semaphore_mem>>)
      %dma_wait3A_69 = tpu.memref_slice %arg4[%mul3A_66] : memref<4096xf32, #tpu.memory_space<hbm>> -> memref<128xf32, #tpu.memory_space<hbm>>
      %dma_wait3A_70 = tpu.memref_slice %arg4[%mul3A_66] : memref<4096xf32, #tpu.memory_space<hbm>> -> memref<128xf32, #tpu.memory_space<hbm>>
      tpu.wait_dma2 semaphore(%run_scoped3A : memref<!tpu.dma_semaphore, #tpu.memory_space<semaphore_mem>>) src(%arg8 : memref<128xf32, #tpu.memory_space<vmem>>) dst(%dma_wait3A_70 : memref<128xf32, #tpu.memory_space<hbm>>)
      tpu.yield
    }) : () -> ()
    return
  }
}

</mosaic_0001>

<sc_bundles>
// kernel: kernel.3.cloned.1.call-start
scs
__scs_entry_jumppad:
0x0: {  	(pc) =	sbr.rel $0x88, $3  }
0x1: {  	(tag) =	ssettag $0x0;
	lr =	simm.s32 $0x1  }
0x2: {  	[smem:$0x3F9F] =	sst lr;
	_ =	strace $0xD0000000  }
0x3: {  	_ = 	snop  }
0x4: {  	_ = 	snop  }
0x5: {  	_ = 	snop  }
0x6: {  	_ = 	snop  }
0x7: {  	_ = 	snop  }
__scs_overlays_trampoline_lowered:
0x8: {  	[smem:$0x3FAE] =	sst s0  }
0x9: {  	[smem:$0x3FAF] =	sst s1  }
0xa: {  	[smem:$0x3FB0] =	sst s2  }
0xb: {  	[smem:$0x3FB1] =	sst s3  }
0xc: {  	[smem:$0x3FB2] =	sst s4  }
0xd: {  	[smem:$0x3FB3] =	sst s5  }
0xe: {  	[smem:$0x3FB4] =	sst s6  }
0xf: {  	[smem:$0x3FB5] =	sst s7  }
0x10: {  	[smem:$0x3FB6] =	sst s8  }
0x11: {  	[smem:$0x3FB7] =	sst s9;
	s0 =	simm.s32 @!p0 $0x0  }
0x12: {  	s1 =	sld [smem:$0x3F9D];
	s0 =	simm.s32 @p0 $0x1  }
0x13: {  	[smem:$0x3FB8] =	sst s0;
	s0 =	simm.s32 @!p1 $0x0  }
0x14: {  	s2 =	sld [smem:$0x3F9C];
	s0 =	simm.s32 @p1 $0x1  }
0x15: {  	[smem:$0x3FB9] =	sst s0;
	s0 =	simm.s32 @!p2 $0x0  }
0x16: {  	s3 =	sld [smem:$0x3FDB];
	s0 =	simm.s32 @p2 $0x1  }
0x17: {  	s4 =	simm.s32 $0x1BF5;
	[smem:$0x3FBB] =	sst s0  }
0x18: {  	s0 =	sld [smem:$0x3F9E];
	_ =	swait.ge [sflag:s4], $0x0  }
0x19: {  	s7 =	sld [smem:$0x3F9F]  }
0x1a: {  	s8 =	sadd.s32 $0xFFFFE003, lr  }
0x1b: {  	s9 =	sadd.s32 $0xFFFFFEF7, lr;
	s5 =	simm.s32 $0xFFFFFFFF;
	p2 =	slt.u32 s8, $0xFFFFF086  }
0x1c: {  	p1 =	slt.u32 s9, $0xF7A;
	s5 =	simm.s32 @!p2 $0x0  }
0x1d: {  	s5 =	simm.s32 @p1 $0x1;
	p0 =	seq.s32 s7, s2  }
0x1e: {  	s7 =	smul.u32 @!p0 $0xF7A, s2;
	p2 =	seq.s32 @!p0 s5, $0x0  }
0x1f: {  	s9 =	smul.u32 $0xF7A, s1;
	s8 =	simm.s32 @!p0 $0x1BF5;
	p2 =	por !p2, p0  }
0x20: {  	[sflag:s8] =	ssyncset.s32 @!p0 $0xFFFFF086;
	s6 =	sadd.s32 @!p0 s3, s7;
	s7 =	simm.s32 @!p0 $0x108  }
0x21: {  	s3 =	sadd.s32 s3, s9;
	s6 =	sadd.s32 @!p0 $0x88, s6;
	s7 =	simm.s32 @p2 $0x1082  }
0x22: {  	[simem:s7], [sflag:s8] =	dma.local @!p0 [hbm:s6], $0xF7A  }
0x23: {  	s9 =	sor.u32 $0xD0000000, s2;
	s6 =	simm.s32 $0x108;
	_ =	swait.ge @!p0 [sflag:s8], $0x0  }
0x24: {  	s3 =	sadd.s32 $0x88, s3;
	s6 =	simm.s32 @!p1 $0x1082;
	[sflag:s4] =	ssyncset.s32 $0xFFFFF086  }
0x25: {  	[simem:s6], [sflag:s4] =	dma.local [hbm:s3], $0xF7A  }
0x26: {  	[smem:$0x3F9F] =	sst s1;
	(tag) =	ssettag s2;
	_ =	strace s9  }
0x27: {  	s1 =	sld [smem:$0x3FAF]  }
0x28: {  	s2 =	sld [smem:$0x3FB0]  }
0x29: {  	s4 =	sld [smem:$0x3FB2]  }
0x2a: {  	p0 =	seq.s32 s5, $0x0;
	s5 =	sld [smem:$0x3FB3]  }
0x2b: {  	s6 =	sld [smem:$0x3FB4]  }
0x2c: {  	s7 =	sld [smem:$0x3FB5]  }
0x2d: {  	s3 =	simm.s32 $0x108;
	s8 =	sld [smem:$0x3FB6]  }
0x2e: {  	s3 =	simm.s32 @!p0 $0x1082;
	s9 =	sld [smem:$0x3FB7]  }
0x2f: {  	lr =	sadd.s32 s0, s3;
	s0 =	sld [smem:$0x3FAE]  }
0x30: {  	s3 =	sld [smem:$0x3FB1]  }
0x31: {  	[smem:$0x3FBA] =	sst s10  }
0x32: {  	s10 =	sld [smem:$0x3FB8];
	_ =	sdelay $0x3  }
0x33: {  	p0 =	seq.s32 s10, $0x1;
	s10 =	sld [smem:$0x3FBA];
	_ =	sdelay $0x3  }
0x34: {  	[smem:$0x3FBA] =	sst s10  }
0x35: {  	s10 =	sld [smem:$0x3FB9];
	_ =	sdelay $0x3  }
0x36: {  	p1 =	seq.s32 s10, $0x1;
	s10 =	sld [smem:$0x3FBA];
	_ =	sdelay $0x3  }
0x37: {  	[smem:$0x3FBA] =	sst s10  }
0x38: {  	s10 =	sld [smem:$0x3FBB]  }
0x39: {  	_ = 	snop;
	(pc) =	sbr.ind lr, $3  }
0x3a: {  	_ = 	snop  }
0x3b: {  	_ = 	snop  }
0x3c: {  	p2 =	seq.s32 s10, $0x1;
	s10 =	sld [smem:$0x3FBA]  }
0x3d: {  	_ =	shalt  }
0x3e: {  	_ =	shalt  }
0x3f: {  	_ =	shalt  }
0x40: {  	_ =	shalt  }
0x41: {  	_ =	shalt  }
0x42: {  	_ =	shalt  }
0x43: {  	_ =	shalt  }
0x44: {  	_ =	shalt  }
0x45: {  	_ =	shalt  }
0x46: {  	_ =	shalt  }
0x47: {  	_ =	shalt  }
0x48: {  	_ =	shalt  }
0x49: {  	_ =	shalt  }
0x4a: {  	_ =	shalt  }
0x4b: {  	_ =	shalt  }
0x4c: {  	_ =	shalt  }
0x4d: {  	_ =	shalt  }
0x4e: {  	_ =	shalt  }
0x4f: {  	_ =	shalt  }
0x50: {  	_ =	shalt  }
0x51: {  	_ =	shalt  }
0x52: {  	_ =	shalt  }
0x53: {  	_ =	shalt  }
0x54: {  	_ =	shalt  }
0x55: {  	_ =	shalt  }
0x56: {  	_ =	shalt  }
0x57: {  	_ =	shalt  }
0x58: {  	_ =	shalt  }
0x59: {  	_ =	shalt  }
0x5a: {  	_ =	shalt  }
0x5b: {  	_ =	shalt  }
0x5c: {  	_ =	shalt  }
0x5d: {  	_ =	shalt  }
0x5e: {  	_ =	shalt  }
0x5f: {  	_ =	shalt  }
0x60: {  	_ =	shalt  }
0x61: {  	_ =	shalt  }
0x62: {  	_ =	shalt  }
0x63: {  	_ =	shalt  }
0x64: {  	_ =	shalt  }
0x65: {  	_ =	shalt  }
0x66: {  	_ =	shalt  }
0x67: {  	_ =	shalt  }
0x68: {  	_ =	shalt  }
0x69: {  	_ =	shalt  }
0x6a: {  	_ =	shalt  }
0x6b: {  	_ =	shalt  }
0x6c: {  	_ =	shalt  }
0x6d: {  	_ =	shalt  }
0x6e: {  	_ =	shalt  }
0x6f: {  	_ =	shalt  }
0x70: {  	_ =	shalt  }
0x71: {  	_ =	shalt  }
0x72: {  	_ =	shalt  }
0x73: {  	_ =	shalt  }
0x74: {  	_ =	shalt  }
0x75: {  	_ =	shalt  }
0x76: {  	_ =	shalt  }
0x77: {  	_ =	shalt  }
0x78: {  	_ =	shalt  }
0x79: {  	_ =	shalt  }
0x7a: {  	_ =	shalt  }
0x7b: {  	_ =	shalt  }
0x7c: {  	_ =	shalt  }
0x7d: {  	_ =	shalt  }
0x7e: {  	_ =	shalt  }
0x7f: {  	_ =	shalt  }
0x80: {  	_ =	shalt  }
0x81: {  	_ =	shalt  }
0x82: {  	_ =	shalt  }
0x83: {  	_ =	shalt  }
0x84: {  	_ =	shalt  }
0x85: {  	_ =	shalt  }
0x86: {  	_ =	shalt  }
0x87: {  	_ =	shalt  }
.Lfunc_end0:
.L_simem_size_0:
called_computation_lowered:
.L_overlay_start_0:
0x88: {  	s2 =	sld [smem:$0x3FD9]  }
0x89: {  	s3 =	sld [smem:$0x3FFE];
	_ =	sdelay $0x1  }
0x8a: {  	s1 =	srdreg.scid  }
0x8b: {  	s0 =	sand.u32 $0x1, s1  }
0x8c: {  	s18 =	sshll.u32 s0, $0xA;
	s2 =	sadd.s32 s3, s2  }
0x8d: {  	s2 =	sadd.s32 s2, s18  }
0x8e: {  	[smem:$0x3FC6] =	sst s2  }
0x8f: {  	_ = 	snop  }
0x90: {  	s2 =	sld [smem:$0x3FC9]  }
0x91: {  	s19 =	sld [smem:$0x3FC8]  }
0x92: {  	s4 =	sld [smem:$0x3FD0];
	(tm) =	ssettm $0x1  }
0x93: {  	s5 =	sld [smem:$0x3FFB];
	_ =	sdelay $0x3  }
0x94: {  	_ =	strace s5  }
0x95: {  	s5 =	sld [smem:$0x3FFC];
	_ =	sdelay $0x3  }
0x96: {  	_ =	strace s5  }
0x97: {  	s5 =	sld [smem:$0x3FFD];
	_ =	sdelay $0x3  }
0x98: {  	_ =	strace s5  }
0x99: {  	_ =	strace $0x8FFFFFFF  }
0x9a: {  	s20 =	sld [smem:$0x3FDB];
	_ =	sdelay $0x1  }
0x9b: {  	s6 =	simm.s32 $_scs_section_size  }
0x9c: {  	s7 =	simm.s32 $_size__tile_overlayer_lowered;
	s8 =	simm.s32 $_tile_overlayer_lowered  }
0x9d: {  	s23 =	simm.s32 $0x1BFF;
	s22 =	sshll.u32 s8, $0x1;
	s5 =	sadd.s32 s6, s20  }
0x9e: {  	s9 =	simm.s32 $0x0;
	s21 =	sshll.u32 s7, $0x1;
	s7 =	sadd.s32 s22, s5  }
0x9f: {  	[timem:s9], [sflag:s23] =	dma.local [hbm:s7], s21  }
0xa0: {  	_ =	swait.ge [sflag:s23], s21  }
0xa1: {  	s6 =	ssub.s32 $0x0, s21;
	[sflag:s23] =	ssyncset.done $0x0  }
0xa2: {  	[sflag:s23] =	ssyncadd.s32 s6;
	_ =	sdelay $0x1  }
0xa3: {  	s24 =	simm.s32 $0x1B8B  }
0xa4: {  	_ =	swait.ge [sflag:s24], $0x1  }
0xa5: {  	[sflag:s24] =	ssyncset.done $0x0  }
0xa6: {  	s25 =	simm.s32 $0x1B8E;
	[sflag:s24] =	ssyncadd.s32 $0xFFFFFFFF  }
0xa7: {  	s26 =	simm.s32 $execute0_lowered;
	[smem:$0x3FD2] =	sst s25  }
0xa8: {  	s6 =	sshll.u32 s26, $0x1;
	_ =	strace $0x80000046;
	[dreg:$0x1] =	wrdreg $0xFFFFFFFF  }
0xa9: {  	s28 =	simm.s32 $_size_execute0_lowered;
	s5 =	sadd.s32 s5, s6;
	[dreg:$0x0] =	wrdreg $0x0  }
0xaa: {  	s6 =	sshll.u32 s28, $0x1;
	[dreg:$0x2] =	wrdreg s5  }
0xab: {  	[dreg:$0x3] =	wrdreg s6  }
0xac: {  	[dreg:$0x4] =	wrdreg $0xC0  }
0xad: {  	_ =	task [dreg:s9], $0x5FFFF  }
0xae: {  	[dreg:$0x1] =	wrdreg $0xFFFFFFFF  }
0xaf: {  	[dreg:$0x0] =	wrdreg $0x60  }
0xb0: {  	[dreg:$0x2] =	wrdreg s2  }
0xb1: {  	[dreg:$0x3] =	wrdreg s19  }
0xb2: {  	[dreg:$0x4] =	wrdreg s4  }
0xb3: {  	[dreg:$0x5] =	wrdreg $0x9  }
0xb4: {  	_ =	task.clear_ibuf [dreg:s9], $0x6FFFF;
	_ =	strace $0x90000046  }
0xb5: {  	s29 =	simm.s32 $0x9;
	_ =	strace $0x80000048  }
0xb6: {  	_ =	swait.ge [sflag:s29], $0x1  }
0xb7: {  	[sflag:s29] =	ssyncadd.s32 $0xFFFFFFFF  }
0xb8: {  	_ =	strace $0x90000048  }
0xb9: {  	_ =	sfence  }
0xba: {  	s30 =	sld [smem:$0x0];
	_ =	sdelay $0x2  }
0xbb: {  	s31 =	sshll.u32 s1, $0xD;
	s1 =	sshrl.u32 s1, $0x2  }
0xbc: {  	s3 =	sand.u32 $0x4000, s31;
	s1 =	sadd.s32 s1, s30  }
0xbd: {  	s0 =	sor.u32 s3, s0;
	s1 =	sshll.u32 s1, $0x11  }
0xbe: {  	s0 =	sor.u32 s1, s0  }
0xbf: {  	s0 =	sadd.s32 $0x8F2B, s0  }
0xc0: {  	[sflag:s0] =	ssyncadd.remote.s32 $0x1  }
0xc1: {  	_ =	sfence.sel $0xFFFF  }
0xc2: {  	[dreg:$0x0] =	wrdreg $0xFFFFFFFF;
	(pc) =	sbr.abs _section_cstart, $3  }
0xc3: {  	[dreg:$0x1] =	wrdreg $0xFFFFFFFF  }
0xc4: {  	_ =	task.clear_ibuf [dreg:s9], $0x2FFFF;
	_ =	strace $0x9FFFFFFF  }
0xc5: {  	(tm) =	ssettm $0x7FFFFFFF  }
tec
execute0_lowered:
.L_overlay_start_1:
0x0: {  	(tag) =	ssettag $0x1  }
0x1: {  	s4 =	rddreg [dreg:$0x0]  }
0x2: {  	s2 =	rddreg [dreg:$0x1]  }
0x3: {  	s6 =	rddreg [dreg:$0x2]  }
0x4: {  	s0 =	rddreg [dreg:$0x3];
	s5 =	srdreg.scid  }
0x5: {  	s1 =	stileid.u32;
	s3 =	simm.s32 $0x0;
	s10 =	simm.s32 $0x800  }
0x6: {  	s11 =	simm.s32 $0x100;
	s12 =	simm.s32 $0x1100;
	s13 =	simm.s32 $0x2  }
0x7: {  	s14 =	simm.s32 $0x900;
	s15 =	simm.s32 $0x1900;
	s16 =	simm.s32 $0x1  }
0x8: {  	s17 =	simm.s32 $0x2100;
	s5 =	sand.u32 $0x1, s5;
	s7 =	sshll.u32 s1, $0x1  }
0x9: {  	s18 =	simm.s32 $0x0;
	[smem:$0x7FF] =	sst s3;
	s7 =	sor.u32 s5, s7  }
0xa: {  	_ =	strace $0x80000047;
	s5 =	ssub.s32 $0x2, s5;
	s8 =	sshll.u32 s7, $0x5  }
0xb: {  	s9 =	sshrl.u32 s5, $0x1;
	s7 =	sshll.u32 s7, $0x4;
	s4 =	sadd.s32 s4, s8  }
0xc: {  	s31 =	ssub.s32 s5, s9;
	s6 =	sadd.s32 s6, s7;
	s8 =	simm.s32 $0x80  }
0xd: {  	s9 =	simm.s32 $0x3;
	s5 =	sadd.s32 $0x10, s4;
	s7 =	smax.u32 s31, $0x1  }
.LBB2_1:
0xe: {  	[tilespmem:s8], [sflag:$0x2] =	stream.linear.gather [hbm4b:s5+s3], $0x80, $0x38;
	[tilespmem:$0x2180] =	vst v63  }
0xf: {  	_ = 	snop  }
0x10: {  	[tilespmem:s3], [sflag:$0x3] =	stream.linear.gather [hbm4b:s4+s3], $0x80, $0x38;
	[tilespmem:$0x2180] =	vst v63  }
0x11: {  	_ =	swait.ge [sflag:s9], $0x80  }
0x12: {  	[sflag:s9] =	ssyncset.done $0x0  }
0x13: {  	s19 =	simm.s32 $0x0;
	[sflag:s9] =	ssyncadd.s32 $0xFFFFFF80  }
0x14: {  	v0 =	vld [tilespmem:s19+$0x0];
	_ =	sdelay $0x4  }
0x15: {  	v1 =	vshll.u32 v0, $0x3  }
0x16: {  	v0 =	vand.u32 $0x7F, v0;
	v1 =	vand.u32 $0xFFFFFC00, v1  }
0x17: {  	v8 =	vor.u32 v0, v1  }
0x18: {  	[tilespmem:s19+$0x100] =	vst v8;
	v0 =	vadd.s32 $0xF42780, v8  }
0x19: {  	v1 =	vadd.s32 $0xF42700, v8;
	[tilespmem:s19+$0x880] =	vst v0  }
0x1a: {  	v2 =	vadd.s32 $0xF42680, v8;
	[tilespmem:s19+$0x800] =	vst v1  }
0x1b: {  	v3 =	vadd.s32 $0xF42600, v8;
	v6 =	vor.u32 $0x280, v8;
	v4 =	vadd.s32 $0xF42580, v8;
	[tilespmem:s19+$0x780] =	vst v2  }
0x1c: {  	v5 =	vor.u32 $0x300, v8;
	v9 =	vadd.s32 $0xF42500, v8;
	v7 =	vor.u32 $0x380, v8;
	[tilespmem:s19+$0x700] =	vst v3  }
0x1d: {  	v1 =	vor.u32 $0x80, v8;
	v0 =	vadd.s32 $0xF42400, v8;
	v2 =	vor.u32 $0x100, v8;
	[tilespmem:s19+$0x680] =	vst v4  }
0x1e: {  	s20 =	simm.s32 $0x40;
	v3 =	vor.u32 $0x180, v8;
	v4 =	vor.u32 $0x200, v8;
	v8 =	vadd.s32 $0xF42480, v8;
	[tilespmem:s19+$0x600] =	vst v9  }
.LBB2_2:
0x1f: {  	s21 =	sshra.s32 s20, $0x2;
	p0 =	sne.s32 s20, $0x1C0;
	s20 =	sadd.s32 $0x40, s20;
	[tilespmem:s19+$0x580] =	vst v8  }
0x20: {  	v8 =	vld [tilespmem:s21+$0x0];
	[tilespmem:s19+$0x380] =	vst v6  }
0x21: {  	[tilespmem:s19+$0x480] =	vst v7  }
0x22: {  	[tilespmem:s19+$0x180] =	vst v1  }
0x23: {  	[tilespmem:s19+$0x200] =	vst v2  }
0x24: {  	[tilespmem:s19+$0x400] =	vst v5  }
0x25: {  	v1 =	vshll.u32 v8, $0x3;
	v2 =	vand.u32 $0x7F, v8;
	[tilespmem:s19+$0x280] =	vst v3  }
0x26: {  	v1 =	vand.u32 $0xFFFFFC00, v1;
	[tilespmem:s19+$0x500] =	vst v0  }
0x27: {  	v9 =	vor.u32 v2, v1;
	[tilespmem:s19+$0x300] =	vst v4;
	s19 =	smov.u32 s21  }
0x28: {  	[tilespmem:s19+$0x100] =	vst v9;
	v1 =	vor.u32 $0x80, v9;
	v0 =	vadd.s32 $0xF42400, v9;
	v3 =	vadd.s32 $0xF42780, v9  }
0x29: {  	v2 =	vor.u32 $0x100, v9;
	v6 =	vor.u32 $0x280, v9;
	v4 =	vadd.s32 $0xF42700, v9;
	[tilespmem:s19+$0x880] =	vst v3  }
.Ltmp0:
0x2a: {  	v5 =	vor.u32 $0x300, v9;
	v8 =	vadd.s32 $0xF42680, v9;
	v3 =	vor.u32 $0x180, v9;
	[tilespmem:s19+$0x800] =	vst v4;
	(pc) =	sbr.rel @p0 .LBB2_2-.Ltmp0, $4  }
0x2b: {  	v7 =	vor.u32 $0x380, v9;
	v10 =	vadd.s32 $0xF42600, v9;
	v4 =	vor.u32 $0x200, v9;
	[tilespmem:s19+$0x780] =	vst v8  }
0x2c: {  	v11 =	vadd.s32 $0xF42580, v9;
	v8 =	vadd.s32 $0xF42480, v9;
	[tilespmem:s19+$0x700] =	vst v10  }
0x2d: {  	v9 =	vadd.s32 $0xF42500, v9;
	[tilespmem:s19+$0x680] =	vst v11  }
0x2e: {  	[tilespmem:s19+$0x600] =	vst v9  }
0x2f: {  	[tilespmem:s19+$0x580] =	vst v8  }
0x30: {  	[tilespmem:s19+$0x380] =	vst v6  }
0x31: {  	[tilespmem:s19+$0x480] =	vst v7  }
0x32: {  	[tilespmem:s19+$0x180] =	vst v1  }
0x33: {  	[tilespmem:s19+$0x200] =	vst v2  }
0x34: {  	[tilespmem:s19+$0x400] =	vst v5  }
0x35: {  	[tilespmem:s19+$0x280] =	vst v3  }
0x36: {  	[tilespmem:s19+$0x500] =	vst v0  }
0x37: {  	[tilespmem:s19+$0x300] =	vst v4  }
0x38: {  	[tilespmem:s12], [sflag:$0x1] =	stream.indirect.gather [hbm4b:s2+s10], $0x1, s11, s10, $0xb8;
	[tilespmem:$0x2180] =	vst v63  }
0x39: {  	_ =	swait.ge [sflag:s13], $0x80  }
0x3a: {  	[sflag:s13] =	ssyncset.done $0x0  }
0x3b: {  	s19 =	simm.s32 $0x0;
	[sflag:s13] =	ssyncadd.s32 $0xFFFFFF80  }
0x3c: {  	v0 =	vld [tilespmem:s19+$0x80];
	_ =	sdelay $0x4  }
0x3d: {  	v0 =	vadd.s32 $0xF4240, v0  }
0x3e: {  	v1 =	vshll.u32 v0, $0x3  }
0x3f: {  	v0 =	vand.u32 $0x7F, v0;
	v1 =	vand.u32 $0xFFFFFC00, v1  }
0x40: {  	v9 =	vor.u32 v0, v1  }
0x41: {  	[tilespmem:s19+$0x900] =	vst v9;
	v0 =	vadd.s32 $0xF42780, v9  }
0x42: {  	v2 =	vor.u32 $0x80, v9;
	v1 =	vadd.s32 $0xF42700, v9;
	[tilespmem:s19+$0x1080] =	vst v0  }
0x43: {  	v3 =	vor.u32 $0x100, v9;
	v4 =	vadd.s32 $0xF42680, v9;
	v5 =	vadd.s32 $0xF42600, v9;
	[tilespmem:s19+$0x1000] =	vst v1  }
0x44: {  	v6 =	vor.u32 $0x200, v9;
	v7 =	vadd.s32 $0xF42400, v9;
	v10 =	vadd.s32 $0xF42580, v9;
	[tilespmem:s19+$0xF80] =	vst v4  }
0x45: {  	v8 =	vadd.s32 $0xF42480, v9;
	v0 =	vor.u32 $0x380, v9;
	v1 =	vor.u32 $0x180, v9;
	[tilespmem:s19+$0xF00] =	vst v5  }
0x46: {  	s20 =	simm.s32 $0x40;
	v4 =	vor.u32 $0x280, v9;
	v5 =	vor.u32 $0x300, v9;
	v9 =	vadd.s32 $0xF42500, v9;
	[tilespmem:s19+$0xE80] =	vst v10  }
.LBB2_4:
0x47: {  	s21 =	sshra.s32 s20, $0x2;
	p0 =	sne.s32 s20, $0x1C0;
	s20 =	sadd.s32 $0x40, s20;
	[tilespmem:s19+$0xE00] =	vst v9  }
0x48: {  	v9 =	vld [tilespmem:s21+$0x80];
	[tilespmem:s19+$0xD80] =	vst v8  }
0x49: {  	[tilespmem:s19+$0xB00] =	vst v6  }
0x4a: {  	[tilespmem:s19+$0xD00] =	vst v7  }
0x4b: {  	[tilespmem:s19+$0x980] =	vst v2  }
0x4c: {  	[tilespmem:s19+$0xA00] =	vst v3  }
0x4d: {  	v2 =	vadd.s32 $0xF4240, v9;
	[tilespmem:s19+$0xB80] =	vst v4  }
0x4e: {  	v3 =	vshll.u32 v2, $0x3;
	[tilespmem:s19+$0xC80] =	vst v0  }
0x4f: {  	v2 =	vand.u32 $0x7F, v2;
	v0 =	vand.u32 $0xFFFFFC00, v3;
	[tilespmem:s19+$0xC00] =	vst v5  }
0x50: {  	v9 =	vor.u32 v2, v0;
	[tilespmem:s19+$0xA80] =	vst v1;
	s19 =	smov.u32 s21  }
0x51: {  	[tilespmem:s19+$0x900] =	vst v9;
	v2 =	vor.u32 $0x80, v9;
	v0 =	vor.u32 $0x380, v9;
	v1 =	vadd.s32 $0xF42780, v9  }
.Ltmp1:
0x52: {  	v3 =	vor.u32 $0x100, v9;
	v6 =	vor.u32 $0x200, v9;
	v5 =	vadd.s32 $0xF42700, v9;
	[tilespmem:s19+$0x1080] =	vst v1;
	(pc) =	sbr.rel @p0 .LBB2_4-.Ltmp1, $4  }
0x53: {  	v4 =	vor.u32 $0x280, v9;
	v8 =	vadd.s32 $0xF42680, v9;
	v1 =	vor.u32 $0x180, v9;
	[tilespmem:s19+$0x1000] =	vst v5  }
0x54: {  	v7 =	vadd.s32 $0xF42400, v9;
	v10 =	vadd.s32 $0xF42600, v9;
	v5 =	vor.u32 $0x300, v9;
	[tilespmem:s19+$0xF80] =	vst v8  }
0x55: {  	v11 =	vadd.s32 $0xF42580, v9;
	v8 =	vadd.s32 $0xF42480, v9;
	[tilespmem:s19+$0xF00] =	vst v10  }
0x56: {  	v9 =	vadd.s32 $0xF42500, v9;
	[tilespmem:s19+$0xE80] =	vst v11  }
0x57: {  	[tilespmem:s19+$0xE00] =	vst v9  }
0x58: {  	[tilespmem:s19+$0xD80] =	vst v8  }
0x59: {  	[tilespmem:s19+$0xB00] =	vst v6  }
0x5a: {  	[tilespmem:s19+$0xD00] =	vst v7  }
0x5b: {  	[tilespmem:s19+$0x980] =	vst v2  }
0x5c: {  	[tilespmem:s19+$0xA00] =	vst v3  }
0x5d: {  	[tilespmem:s19+$0xB80] =	vst v4  }
0x5e: {  	[tilespmem:s19+$0xC80] =	vst v0  }
0x5f: {  	[tilespmem:s19+$0xC00] =	vst v5  }
0x60: {  	[tilespmem:s19+$0xA80] =	vst v1  }
0x61: {  	[tilespmem:s15], [sflag:$0x1] =	stream.indirect.gather [hbm4b:s2+s10], $0x1, s14, s10, $0xb8;
	[tilespmem:$0x2180] =	vst v63  }
0x62: {  	_ =	swait.ge [sflag:s16], $0x800  }
0x63: {  	[sflag:s16] =	ssyncset.done $0x0  }
0x64: {  	[sflag:s16] =	ssyncadd.s32 $0xFFFFF800  }
0x65: {  	_ =	swait.ge [sflag:s16], $0x800  }
0x66: {  	[sflag:s16] =	ssyncset.done $0x0  }
0x67: {  	s19 =	simm.s32 $0x0;
	[sflag:s16] =	ssyncadd.s32 $0xFFFFF800  }
0x68: {  	v0 =	vld [tilespmem:s19+$0x1100]  }
0x69: {  	v1 =	vld [tilespmem:s19+$0x1900]  }
0x6a: {  	v2 =	vld [tilespmem:s19+$0x1180]  }
0x6b: {  	v3 =	vld [tilespmem:s19+$0x1980]  }
0x6c: {  	v4 =	vld [tilespmem:s19+$0x1200]  }
0x6d: {  	v5 =	vld [tilespmem:s19+$0x1A00]  }
0x6e: {  	v6 =	vld [tilespmem:s19+$0x1280]  }
0x6f: {  	v7 =	vld [tilespmem:s19+$0x1A80]  }
0x70: {  	v0 =	vmul.f32 v1, v0;
	v1 =	vmul.f32 v3, v2;
	v2 =	vld [tilespmem:s19+$0x1300]  }
0x71: {  	v3 =	vld [tilespmem:s19+$0x1B00]  }
0x72: {  	v0 =	vadd.f32 v1, v0;
	v1 =	vmul.f32 v5, v4;
	v4 =	vld [tilespmem:s19+$0x1380]  }
0x73: {  	v5 =	vld [tilespmem:s19+$0x1B80]  }
0x74: {  	v0 =	vadd.f32 v1, v0;
	v1 =	vmul.f32 v7, v6;
	v6 =	vld [tilespmem:s19+$0x1400]  }
0x75: {  	v7 =	vld [tilespmem:s19+$0x1C00]  }
0x76: {  	v0 =	vadd.f32 v1, v0;
	v1 =	vmul.f32 v3, v2;
	v2 =	vld [tilespmem:s19+$0x1480]  }
0x77: {  	v3 =	vld [tilespmem:s19+$0x1C80]  }
0x78: {  	v0 =	vadd.f32 v1, v0;
	v1 =	vmul.f32 v5, v4;
	v4 =	vld [tilespmem:s19+$0x1500]  }
0x79: {  	v5 =	vld [tilespmem:s19+$0x1D00]  }
0x7a: {  	v0 =	vadd.f32 v1, v0;
	v1 =	vmul.f32 v7, v6;
	v6 =	vld [tilespmem:s19+$0x1580]  }
0x7b: {  	v7 =	vld [tilespmem:s19+$0x1D80]  }
0x7c: {  	v0 =	vadd.f32 v1, v0;
	v1 =	vmul.f32 v3, v2;
	v2 =	vld [tilespmem:s19+$0x1600]  }
0x7d: {  	v3 =	vld [tilespmem:s19+$0x1E00]  }
0x7e: {  	v0 =	vadd.f32 v1, v0;
	v1 =	vmul.f32 v5, v4;
	v4 =	vld [tilespmem:s19+$0x1680]  }
0x7f: {  	v5 =	vld [tilespmem:s19+$0x1E80]  }
0x80: {  	v0 =	vadd.f32 v1, v0;
	v1 =	vmul.f32 v7, v6;
	v6 =	vld [tilespmem:s19+$0x1700]  }
0x81: {  	v7 =	vld [tilespmem:s19+$0x1F00]  }
0x82: {  	v0 =	vadd.f32 v1, v0;
	v1 =	vmul.f32 v3, v2;
	v2 =	vld [tilespmem:s19+$0x1780]  }
0x83: {  	v3 =	vld [tilespmem:s19+$0x1F80]  }
0x84: {  	v8 =	vld [tilespmem:s19+$0x1800];
	v0 =	vadd.f32 v1, v0;
	v1 =	vmul.f32 v5, v4  }
0x85: {  	v63 =	vld [tilespmem:s19+$0x2000]  }
0x86: {  	v4 =	vld [tilespmem:s19+$0x2080];
	v6 =	vmul.f32 v7, v6;
	v5 =	vadd.f32 v1, v0  }
0x87: {  	s20 =	simm.s32 $0x10;
	v1 =	vld [tilespmem:s19+$0x1880]  }
0x88: {  	v0 =	vld [tilespmem:s20+$0x1100];
	v5 =	vadd.f32 v6, v5;
	v6 =	vmul.f32 v3, v2  }
0x89: {  	v2 =	vld [tilespmem:s20+$0x1900]  }
0x8a: {  	s21 =	simm.s32 $0x80;
	v3 =	vld [tilespmem:s20+$0x1180];
	v5 =	vadd.f32 v6, v5;
	v6 =	vmul.f32 v63, v8  }
.LBB2_6:
0x8b: {  	p0 =	sne.s32 s21, $0x1C0;
	v7 =	vld [tilespmem:s20+$0x1980]  }
0x8c: {  	v8 =	vld [tilespmem:s20+$0x1200];
	v5 =	vadd.f32 v6, v5;
	v1 =	vmul.f32 v4, v1  }
0x8d: {  	v4 =	vld [tilespmem:s20+$0x1A00]  }
0x8e: {  	v6 =	vld [tilespmem:s20+$0x1280];
	v1 =	vadd.f32 v1, v5  }
0x8f: {  	v5 =	vld [tilespmem:s20+$0x1A80]  }
0x90: {  	v0 =	vmul.f32 v2, v0;
	v2 =	vmul.f32 v7, v3;
	v3 =	vld [tilespmem:s20+$0x1300];
	[tilespmem:s19+$0x2100] =	vst v1;
	s19 =	smov.u32 s20  }
0x91: {  	v1 =	vld [tilespmem:s19+$0x1B00]  }
0x92: {  	v0 =	vadd.f32 v2, v0;
	v2 =	vmul.f32 v4, v8;
	v4 =	vld [tilespmem:s19+$0x1380]  }
0x93: {  	v7 =	vld [tilespmem:s19+$0x1B80]  }
0x94: {  	v0 =	vadd.f32 v2, v0;
	v2 =	vmul.f32 v5, v6;
	v5 =	vld [tilespmem:s19+$0x1400]  }
0x95: {  	v6 =	vld [tilespmem:s19+$0x1C00]  }
0x96: {  	v0 =	vadd.f32 v2, v0;
	v1 =	vmul.f32 v1, v3;
	v2 =	vld [tilespmem:s19+$0x1480]  }
0x97: {  	v3 =	vld [tilespmem:s19+$0x1C80]  }
0x98: {  	v0 =	vadd.f32 v1, v0;
	v1 =	vmul.f32 v7, v4;
	v4 =	vld [tilespmem:s19+$0x1500]  }
0x99: {  	v7 =	vld [tilespmem:s19+$0x1D00]  }
0x9a: {  	v0 =	vadd.f32 v1, v0;
	v1 =	vmul.f32 v6, v5;
	v5 =	vld [tilespmem:s19+$0x1580]  }
0x9b: {  	v6 =	vld [tilespmem:s19+$0x1D80]  }
0x9c: {  	v0 =	vadd.f32 v1, v0;
	v1 =	vmul.f32 v3, v2;
	v2 =	vld [tilespmem:s19+$0x1600]  }
0x9d: {  	v3 =	vld [tilespmem:s19+$0x1E00]  }
0x9e: {  	v0 =	vadd.f32 v1, v0;
	v1 =	vmul.f32 v7, v4;
	v4 =	vld [tilespmem:s19+$0x1680]  }
0x9f: {  	v7 =	vld [tilespmem:s19+$0x1E80]  }
0xa0: {  	v0 =	vadd.f32 v1, v0;
	v1 =	vmul.f32 v6, v5;
	v5 =	vld [tilespmem:s19+$0x1700]  }
0xa1: {  	v6 =	vld [tilespmem:s19+$0x1F00]  }
0xa2: {  	v0 =	vadd.f32 v1, v0;
	v1 =	vmul.f32 v3, v2;
	v2 =	vld [tilespmem:s19+$0x1780]  }
0xa3: {  	v3 =	vld [tilespmem:s19+$0x1F80]  }
0xa4: {  	v0 =	vadd.f32 v1, v0;
	v1 =	vmul.f32 v7, v4;
	v7 =	vld [tilespmem:s19+$0x1800]  }
0xa5: {  	v8 =	vld [tilespmem:s19+$0x2000]  }
.Ltmp2:
0xa6: {  	v9 =	vadd.f32 v1, v0;
	v5 =	vmul.f32 v6, v5;
	v1 =	vld [tilespmem:s19+$0x1880];
	(pc) =	sbr.rel @p0 .LBB2_6-.Ltmp2, $4  }
0xa7: {  	s20 =	sshra.s32 s21, $0x2;
	v4 =	vld [tilespmem:s19+$0x2080]  }
0xa8: {  	v0 =	vld [tilespmem:s20+$0x1100];
	v5 =	vadd.f32 v5, v9;
	v6 =	vmul.f32 v3, v2  }
0xa9: {  	v2 =	vld [tilespmem:s20+$0x1900]  }
0xaa: {  	s21 =	sadd.s32 $0x40, s21;
	v3 =	vld [tilespmem:s20+$0x1180];
	v5 =	vadd.f32 v6, v5;
	v6 =	vmul.f32 v8, v7  }
0xab: {  	v7 =	vld [tilespmem:s20+$0x1980]  }
0xac: {  	v8 =	vld [tilespmem:s20+$0x1200];
	v5 =	vadd.f32 v6, v5;
	v1 =	vmul.f32 v4, v1  }
0xad: {  	v25 =	vld [tilespmem:s20+$0x1A00]  }
0xae: {  	v26 =	vld [tilespmem:s20+$0x1280];
	v1 =	vadd.f32 v1, v5  }
0xaf: {  	v27 =	vld [tilespmem:s20+$0x1A80]  }
0xb0: {  	v9 =	vld [tilespmem:s20+$0x1300];
	v0 =	vmul.f32 v2, v0;
	v28 =	vmul.f32 v7, v3;
	[tilespmem:s19+$0x2100] =	vst v1  }
0xb1: {  	v1 =	vld [tilespmem:s20+$0x1B00]  }
0xb2: {  	v29 =	vmul.f32 v25, v8;
	v30 =	vld [tilespmem:s20+$0x1380];
	v0 =	vadd.f32 v28, v0  }
0xb3: {  	v31 =	vld [tilespmem:s20+$0x1B80]  }
0xb4: {  	v32 =	vmul.f32 v27, v26;
	v33 =	vld [tilespmem:s20+$0x1400];
	v0 =	vadd.f32 v29, v0  }
0xb5: {  	v34 =	vld [tilespmem:s20+$0x1C00]  }
0xb6: {  	v35 =	vld [tilespmem:s20+$0x1480];
	v0 =	vadd.f32 v32, v0;
	v1 =	vmul.f32 v1, v9  }
0xb7: {  	v36 =	vld [tilespmem:s20+$0x1C80]  }
0xb8: {  	v38 =	vld [tilespmem:s20+$0x1500];
	v37 =	vmul.f32 v31, v30;
	v0 =	vadd.f32 v1, v0  }
0xb9: {  	v39 =	vld [tilespmem:s20+$0x1D00]  }
0xba: {  	v41 =	vld [tilespmem:s20+$0x1580];
	v40 =	vmul.f32 v34, v33;
	v0 =	vadd.f32 v37, v0  }
0xbb: {  	v42 =	vld [tilespmem:s20+$0x1D80]  }
0xbc: {  	v44 =	vld [tilespmem:s20+$0x1600];
	v43 =	vmul.f32 v36, v35;
	v0 =	vadd.f32 v40, v0  }
0xbd: {  	v45 =	vld [tilespmem:s20+$0x1E00]  }
0xbe: {  	v47 =	vld [tilespmem:s20+$0x1680];
	v46 =	vmul.f32 v39, v38;
	v0 =	vadd.f32 v43, v0  }
0xbf: {  	v48 =	vld [tilespmem:s20+$0x1E80]  }
0xc0: {  	v50 =	vld [tilespmem:s20+$0x1700];
	v49 =	vmul.f32 v42, v41;
	v0 =	vadd.f32 v46, v0  }
0xc1: {  	v51 =	vld [tilespmem:s20+$0x1F00]  }
0xc2: {  	v53 =	vld [tilespmem:s20+$0x1780];
	v52 =	vmul.f32 v45, v44;
	v0 =	vadd.f32 v49, v0  }
0xc3: {  	v54 =	vld [tilespmem:s20+$0x1F80]  }
0xc4: {  	v56 =	vld [tilespmem:s20+$0x1800];
	v55 =	vmul.f32 v48, v47;
	v0 =	vadd.f32 v52, v0  }
0xc5: {  	v57 =	vld [tilespmem:s20+$0x2000]  }
0xc6: {  	v59 =	vld [tilespmem:s20+$0x1880];
	v58 =	vmul.f32 v51, v50;
	v0 =	vadd.f32 v55, v0  }
0xc7: {  	v60 =	vld [tilespmem:s20+$0x2080]  }
0xc8: {  	v61 =	vmul.f32 v54, v53;
	v0 =	vadd.f32 v58, v0;
	_ =	sdelay $0x1  }
0xc9: {  	v62 =	vmul.f32 v57, v56;
	v0 =	vadd.f32 v61, v0;
	_ =	sdelay $0x1  }
0xca: {  	v63 =	vmul.f32 v60, v59;
	v0 =	vadd.f32 v62, v0;
	_ =	sdelay $0x1  }
0xcb: {  	s18 =	sadd.s32 $0x1, s18;
	v0 =	vadd.f32 v63, v0  }
0xcc: {  	p0 =	sne.s32 s18, s7  }
.Ltmp3:
0xcd: {  	[tilespmem:s20+$0x2100] =	vst v0;
	(pc) =	sbr.rel @p0 .LBB2_1-.Ltmp3, $4  }
0xce: {  	[hbm4b:s6+s3] =	stream.linear.scatter [tilespmem:s17], [sflag:$0x3], $0x80, $0x38;
	[tilespmem:$0x2180] =	vst v63  }
0xcf: {  	_ =	swait.ge [sflag:s9], $0x80  }
0xd0: {  	[sflag:s9] =	ssyncset.done $0x0  }
0xd1: {  	[sflag:s9] =	ssyncadd.s32 $0xFFFFFF80  }
0xd2: {  	_ =	sfence.sel $0x180000  }
0xd3: {  	[bflag:$0x0] =	sbarrier.arrive $0xFFFF  }
0xd4: {  	p0 =	sne.s32 s1, $0x0;
	_ =	strace $0x90000047  }
0xd5: {  	s0 =	sadd.s32 @!p0 $0x100000, s0;
	[bflag:$0x2] =	sbarrier.arrive $0xFFFF  }
0xd6: {  	[sflag:s0] =	ssyncadd.tile.s32 @!p0 $0x1;
	_ =	shalt  }
.Lfunc_end2:
_tile_overlayer_lowered:
.L_overlay_start_2:
0xd7: {  	(tag) =	ssettag $0x2  }
0xd8: {  	s0 =	rddreg [dreg:$0x0];
	s2 =	stileid.u32  }
0xd9: {  	s1 =	rddreg [dreg:$0x1];
	p0 =	sne.s32 s2, $0x0  }
0xda: {  	s3 =	rddreg [dreg:$0x2];
	[bflag:$0x3] =	sbarrier.arrive $0xFFFF;
	s2 =	simm.s32 @!p0 $0x1C03  }
0xdb: {  	[timem:s3], [sflag:s2] =	dma.local @!p0 [hbm:s0], s1  }
0xdc: {  	s0 =	simm.s32 @!p0 $0x3  }
0xdd: {  	_ =	swait.ge @!p0 [sflag:s0], s1  }
0xde: {  	s1 =	ssub.s32 @!p0 $0x0, s1;
	[sflag:s0] =	ssyncset.done @!p0 $0x0  }
0xdf: {  	[sflag:s0] =	ssyncadd.s32 @!p0 s1  }
0xe0: {  	[bflag:$0x3] =	sbarrier.arrive $0xFFFF  }
0xe1: {  	_ =	shalt  }

</sc_bundles>
